<compile_context>
chip_gen: v7x
topology: tpu7x:2x2x1
jax: 0.10.2.dev20260603
libtpu: 0.0.44.dev20260713+nightly
codegen_flags: <defaults>
</compile_context>

<pallas_src>
import functools

import jax
import jax.numpy as jnp
from jax import lax
from jax.experimental import pallas as pl
from jax.experimental.pallas import tpu as pltpu
from jax.experimental.pallas import tpu_sc as plsc

_B = 4096
_S = 26
_DIM = 128
_NC = 2
_NS = 16
_NW = _NC * _NS
_BPW = _B // _NW
_IPW = _BPW * _S
_CB = 4
_CI = _CB * _S
_NCHUNK = _BPW // _CB
_NBUF = 4


@functools.cache
def _make_kernel():
    mesh = plsc.VectorSubcoreMesh(core_axis_name="c", subcore_axis_name="s")

    @functools.partial(
        pl.kernel,
        mesh=mesh,
        out_type=jax.ShapeDtypeStruct((_B, _S, _DIM), jnp.float32),
        scratch_types=[
            pltpu.VMEM((_IPW,), jnp.int32),
            pltpu.VMEM((_NBUF, _CI, _DIM), jnp.float32),
            pltpu.SemaphoreType.DMA((_NBUF,)),
            pltpu.SemaphoreType.DMA((_NBUF,)),
        ],
    )
    def gather_kernel(table_hbm, idx_hbm, out_hbm, idx_v, bufs, gsem, ssem):
        wid = lax.axis_index("s") * _NC + lax.axis_index("c")
        b0 = wid * _BPW
        pltpu.sync_copy(idx_hbm.at[pl.ds(wid * _IPW, _IPW)], idx_v)

        def g_start(j, b):
            pltpu.async_copy(
                table_hbm.at[idx_v.at[pl.ds(j * _CI, _CI)]], bufs.at[b], gsem.at[b]
            )

        def g_wait(b):
            pltpu.make_async_copy(
                table_hbm.at[pl.ds(0, _CI)], bufs.at[b], gsem.at[b]
            ).wait()

        def s_start(j, b):
            for k in range(_CB):
                pltpu.async_copy(
                    bufs.at[b].at[pl.ds(k * _S, _S)],
                    out_hbm.at[b0 + j * _CB + k],
                    ssem.at[b],
                )

        def s_wait(b):
            pltpu.make_async_copy(
                bufs.at[b], table_hbm.at[pl.ds(0, _CI)], ssem.at[b]
            ).wait()

        for b in range(_NBUF):
            g_start(b, b)

        def body(j0):
            for b in range(_NBUF):
                g_wait(b)
                s_start(j0 + b, b)

            for b in range(_NBUF):
                nxt = j0 + b + _NBUF

                @pl.when(nxt < _NCHUNK)
                def _():
                    s_wait(b)
                    g_start(nxt, b)

        pl.loop(0, _NCHUNK, step=_NBUF)(body)

        for b in range(_NBUF):
            s_wait(b)

    return gather_kernel


@jax.jit
def kernel(IX, weight):
    idx = IX.reshape(-1).astype(jnp.int32)
    return _make_kernel()(weight, idx)

# --- scband reference (transcript-rebuilt; emitter-appended) ---
"""Pipeline reference for scband-embedding-59725815218344 (READ-ONLY COPY).

The authoritative reference and input builder live on the scoring server;
editing this copy changes nothing except your own understanding.
"""

import jax, jax.numpy as jnp
import numpy as np

NUM_EMBEDDINGS = 100000
EMBEDDING_DIM = 128

def setup_inputs(seed: int = 0) -> dict:
    key = jax.random.key(seed)
    k1, k2 = jax.random.split(key)
    IX = jax.random.randint(k1, (4096, 26), 0, NUM_EMBEDDINGS, dtype=jnp.int64 if jax.config.jax_enable_x64 else jnp.int32)
    weight = jax.random.normal(k2, (NUM_EMBEDDINGS, EMBEDDING_DIM), dtype=jnp.float32)
    return {"IX": IX, "weight": weight}

def reference(IX, weight):
    # Faithful translation of Embedding.__call__: out = weight[IX]
    out = jnp.take(weight, IX, axis=0)
    return out

if __name__ == "__main__":
    import jax
    _d = setup_inputs()
    print(jax.jit(kernel)(*tuple(_d.values())))

</pallas_src>

<mosaic_0001>
#map = affine_map<(d0, d1) -> (0, 0)>
#map1 = affine_map<(d0, d1) -> (0)>
#map2 = affine_map<(d0, d1) -> (0, 0, 0)>
module attributes {stable_mosaic.version = 14 : i64} {
  func.func @gather_kernel(%arg0: i32, %arg1: i32, %arg2: memref<100000x128xf32, #tpu.memory_space<hbm>>, %arg3: memref<106496xi32, #tpu.memory_space<hbm>>, %arg4: memref<4096x26x128xf32, #tpu.memory_space<hbm>>, %arg5: memref<3328xi32, #tpu.memory_space<vmem>>, %arg6: memref<4x104x128xf32, #tpu.memory_space<vmem>>, %arg7: memref<4x!tpu.dma_semaphore, #tpu.memory_space<semaphore_mem>>, %arg8: memref<4x!tpu.dma_semaphore, #tpu.memory_space<semaphore_mem>>) attributes {dimension_semantics = [#tpu.dimension_semantics<core_parallel>, #tpu.dimension_semantics<subcore_parallel>], iteration_bounds = array<i64: 2, 16>, scalar_prefetch = 0 : i64, scratch_operands = 4 : i64, tpu.core_type = #tpu.core_type<sc_vector_subcore>, window_params = [{transform_indices = #map}, {transform_indices = #map1}, {transform_indices = #map2}]} {
    %mul3A = arith.constant 2 : i32
    %mul3A_0 = arith.muli %arg1, %mul3A : i32
    %add3A = arith.addi %mul3A_0, %arg0 : i32
    %mul3A_1 = arith.constant 128 : i32
    %mul3A_2 = arith.muli %add3A, %mul3A_1 : i32
    %mul3A_3 = arith.constant 3328 : i32
    %mul3A_4 = arith.muli %add3A, %mul3A_3 : i32
    "tpu.region"() ({
      %run_scoped3A = tpu.sem_alloc : memref<!tpu.dma_semaphore, #tpu.memory_space<semaphore_mem>>
      %dma_start3A_131 = tpu.memref_slice %arg3[%mul3A_4] : memref<106496xi32, #tpu.memory_space<hbm>> -> memref<3328xi32, #tpu.memory_space<hbm>>
      %dma_start3A_132 = tpu.memref_slice %arg3[%mul3A_4] : memref<106496xi32, #tpu.memory_space<hbm>> -> memref<3328xi32, #tpu.memory_space<hbm>>
      tpu.enqueue_dma source(%dma_start3A_132 : memref<3328xi32, #tpu.memory_space<hbm>>) target(%arg5 : memref<3328xi32, #tpu.memory_space<vmem>>) target_semaphore(%run_scoped3A : memref<!tpu.dma_semaphore, #tpu.memory_space<semaphore_mem>>)
      %dma_wait3A_133 = tpu.memref_slice %arg3[%mul3A_4] : memref<106496xi32, #tpu.memory_space<hbm>> -> memref<3328xi32, #tpu.memory_space<hbm>>
      %dma_wait3A_134 = tpu.memref_slice %arg3[%mul3A_4] : memref<106496xi32, #tpu.memory_space<hbm>> -> memref<3328xi32, #tpu.memory_space<hbm>>
      tpu.wait_dma2 semaphore(%run_scoped3A : memref<!tpu.dma_semaphore, #tpu.memory_space<semaphore_mem>>) src(%dma_wait3A_134 : memref<3328xi32, #tpu.memory_space<hbm>>) dst(%arg5 : memref<3328xi32, #tpu.memory_space<vmem>>)
      tpu.yield
    }) : () -> ()
    %dma_start3A = arith.constant 0 : i32
    %dma_start3A_5 = arith.constant 0 : i32
    %dma_start3A_6 = arith.constant 0 : i32
    %dma_start3A_7 = arith.constant 0 : i32
    %dma_start3A_8 = tpu.memref_slice %arg6[%dma_start3A, %dma_start3A_6, %dma_start3A_7] : memref<4x104x128xf32, #tpu.memory_space<vmem>> -> memref<1x104x128xf32, #tpu.memory_space<vmem>>
    %dma_start3A_9 = tpu.memref_squeeze %dma_start3A_8 : memref<1x104x128xf32, #tpu.memory_space<vmem>> -> memref<104x128xf32, #tpu.memory_space<vmem>>
    %dma_start3A_10 = arith.constant 0 : i32
    %dma_start3A_11 = tpu.memref_slice %arg5[%dma_start3A_10] : memref<3328xi32, #tpu.memory_space<vmem>> -> memref<104xi32, #tpu.memory_space<vmem>>
    %dma_start3A_12 = arith.constant 0 : i32
    %dma_start3A_13 = arith.constant 0 : i32
    %dma_start3A_14 = tpu.memref_slice %arg2[%dma_start3A_12, %dma_start3A_13] : memref<100000x128xf32, #tpu.memory_space<hbm>> -> memref<100000x128xf32, #tpu.memory_space<hbm>>
    %dma_start3A_15 = tpu.memref_slice %arg7[%dma_start3A_5] : memref<4x!tpu.dma_semaphore, #tpu.memory_space<semaphore_mem>> -> memref<1x!tpu.dma_semaphore, #tpu.memory_space<semaphore_mem>>
    %dma_start3A_16 = tpu.memref_squeeze %dma_start3A_15 : memref<1x!tpu.dma_semaphore, #tpu.memory_space<semaphore_mem>> -> memref<!tpu.dma_semaphore, #tpu.memory_space<semaphore_mem>>
    tpu.enqueue_indirect_dma source(%dma_start3A_14 : memref<100000x128xf32, #tpu.memory_space<hbm>>) target(%dma_start3A_9 : memref<104x128xf32, #tpu.memory_space<vmem>>) offsets(%dma_start3A_11 : memref<104xi32, #tpu.memory_space<vmem>>) semaphore(%dma_start3A_16 : memref<!tpu.dma_semaphore, #tpu.memory_space<semaphore_mem>>)
    %dma_start3A_17 = arith.constant 1 : i32
    %dma_start3A_18 = arith.constant 1 : i32
    %dma_start3A_19 = arith.constant 0 : i32
    %dma_start3A_20 = arith.constant 0 : i32
    %dma_start3A_21 = tpu.memref_slice %arg6[%dma_start3A_17, %dma_start3A_19, %dma_start3A_20] : memref<4x104x128xf32, #tpu.memory_space<vmem>> -> memref<1x104x128xf32, #tpu.memory_space<vmem>>
    %dma_start3A_22 = tpu.memref_squeeze %dma_start3A_21 : memref<1x104x128xf32, #tpu.memory_space<vmem>> -> memref<104x128xf32, #tpu.memory_space<vmem>>
    %dma_start3A_23 = arith.constant 104 : i32
    %dma_start3A_24 = tpu.memref_slice %arg5[%dma_start3A_23] : memref<3328xi32, #tpu.memory_space<vmem>> -> memref<104xi32, #tpu.memory_space<vmem>>
    %dma_start3A_25 = arith.constant 0 : i32
    %dma_start3A_26 = arith.constant 0 : i32
    %dma_start3A_27 = tpu.memref_slice %arg2[%dma_start3A_25, %dma_start3A_26] : memref<100000x128xf32, #tpu.memory_space<hbm>> -> memref<100000x128xf32, #tpu.memory_space<hbm>>
    %dma_start3A_28 = tpu.memref_slice %arg7[%dma_start3A_18] : memref<4x!tpu.dma_semaphore, #tpu.memory_space<semaphore_mem>> -> memref<1x!tpu.dma_semaphore, #tpu.memory_space<semaphore_mem>>
    %dma_start3A_29 = tpu.memref_squeeze %dma_start3A_28 : memref<1x!tpu.dma_semaphore, #tpu.memory_space<semaphore_mem>> -> memref<!tpu.dma_semaphore, #tpu.memory_space<semaphore_mem>>
    tpu.enqueue_indirect_dma source(%dma_start3A_27 : memref<100000x128xf32, #tpu.memory_space<hbm>>) target(%dma_start3A_22 : memref<104x128xf32, #tpu.memory_space<vmem>>) offsets(%dma_start3A_24 : memref<104xi32, #tpu.memory_space<vmem>>) semaphore(%dma_start3A_29 : memref<!tpu.dma_semaphore, #tpu.memory_space<semaphore_mem>>)
    %dma_start3A_30 = arith.constant 2 : i32
    %dma_start3A_31 = arith.constant 2 : i32
    %dma_start3A_32 = arith.constant 0 : i32
    %dma_start3A_33 = arith.constant 0 : i32
    %dma_start3A_34 = tpu.memref_slice %arg6[%dma_start3A_30, %dma_start3A_32, %dma_start3A_33] : memref<4x104x128xf32, #tpu.memory_space<vmem>> -> memref<1x104x128xf32, #tpu.memory_space<vmem>>
    %dma_start3A_35 = tpu.memref_squeeze %dma_start3A_34 : memref<1x104x128xf32, #tpu.memory_space<vmem>> -> memref<104x128xf32, #tpu.memory_space<vmem>>
    %dma_start3A_36 = arith.constant 208 : i32
    %dma_start3A_37 = tpu.memref_slice %arg5[%dma_start3A_36] : memref<3328xi32, #tpu.memory_space<vmem>> -> memref<104xi32, #tpu.memory_space<vmem>>
    %dma_start3A_38 = arith.constant 0 : i32
    %dma_start3A_39 = arith.constant 0 : i32
    %dma_start3A_40 = tpu.memref_slice %arg2[%dma_start3A_38, %dma_start3A_39] : memref<100000x128xf32, #tpu.memory_space<hbm>> -> memref<100000x128xf32, #tpu.memory_space<hbm>>
    %dma_start3A_41 = tpu.memref_slice %arg7[%dma_start3A_31] : memref<4x!tpu.dma_semaphore, #tpu.memory_space<semaphore_mem>> -> memref<1x!tpu.dma_semaphore, #tpu.memory_space<semaphore_mem>>
    %dma_start3A_42 = tpu.memref_squeeze %dma_start3A_41 : memref<1x!tpu.dma_semaphore, #tpu.memory_space<semaphore_mem>> -> memref<!tpu.dma_semaphore, #tpu.memory_space<semaphore_mem>>
    tpu.enqueue_indirect_dma source(%dma_start3A_40 : memref<100000x128xf32, #tpu.memory_space<hbm>>) target(%dma_start3A_35 : memref<104x128xf32, #tpu.memory_space<vmem>>) offsets(%dma_start3A_37 : memref<104xi32, #tpu.memory_space<vmem>>) semaphore(%dma_start3A_42 : memref<!tpu.dma_semaphore, #tpu.memory_space<semaphore_mem>>)
    %dma_start3A_43 = arith.constant 3 : i32
    %dma_start3A_44 = arith.constant 3 : i32
    %dma_start3A_45 = arith.constant 0 : i32
    %dma_start3A_46 = arith.constant 0 : i32
    %dma_start3A_47 = tpu.memref_slice %arg6[%dma_start3A_43, %dma_start3A_45, %dma_start3A_46] : memref<4x104x128xf32, #tpu.memory_space<vmem>> -> memref<1x104x128xf32, #tpu.memory_space<vmem>>
    %dma_start3A_48 = tpu.memref_squeeze %dma_start3A_47 : memref<1x104x128xf32, #tpu.memory_space<vmem>> -> memref<104x128xf32, #tpu.memory_space<vmem>>
    %dma_start3A_49 = arith.constant 312 : i32
    %dma_start3A_50 = tpu.memref_slice %arg5[%dma_start3A_49] : memref<3328xi32, #tpu.memory_space<vmem>> -> memref<104xi32, #tpu.memory_space<vmem>>
    %dma_start3A_51 = arith.constant 0 : i32
    %dma_start3A_52 = arith.constant 0 : i32
    %dma_start3A_53 = tpu.memref_slice %arg2[%dma_start3A_51, %dma_start3A_52] : memref<100000x128xf32, #tpu.memory_space<hbm>> -> memref<100000x128xf32, #tpu.memory_space<hbm>>
    %dma_start3A_54 = tpu.memref_slice %arg7[%dma_start3A_44] : memref<4x!tpu.dma_semaphore, #tpu.memory_space<semaphore_mem>> -> memref<1x!tpu.dma_semaphore, #tpu.memory_space<semaphore_mem>>
    %dma_start3A_55 = tpu.memref_squeeze %dma_start3A_54 : memref<1x!tpu.dma_semaphore, #tpu.memory_space<semaphore_mem>> -> memref<!tpu.dma_semaphore, #tpu.memory_space<semaphore_mem>>
    tpu.enqueue_indirect_dma source(%dma_start3A_53 : memref<100000x128xf32, #tpu.memory_space<hbm>>) target(%dma_start3A_48 : memref<104x128xf32, #tpu.memory_space<vmem>>) offsets(%dma_start3A_50 : memref<104xi32, #tpu.memory_space<vmem>>) semaphore(%dma_start3A_55 : memref<!tpu.dma_semaphore, #tpu.memory_space<semaphore_mem>>)
    %scan3A = arith.constant 0 : i32
    %scan3A_56 = arith.constant 8 : i32
    %scan3A_57 = arith.addi %scan3A, %scan3A_56 : i32
    %scan3A_58 = arith.constant 1 : i32
    scf.for %scan3A_131 = %scan3A to %scan3A_57 step %scan3A_58  : i32 {
      %mul3A_132 = arith.constant 4 : i32
      %mul3A_133 = arith.muli %scan3A_131, %mul3A_132 : i32
      %add3A_134 = arith.constant 0 : i32
      %add3A_135 = arith.addi %add3A_134, %mul3A_133 : i32
      %dma_wait3A_136 = arith.constant 0 : i32
      %dma_wait3A_137 = arith.constant 0 : i32
      %dma_wait3A_138 = arith.constant 0 : i32
      %dma_wait3A_139 = arith.constant 0 : i32
      %dma_wait3A_140 = tpu.memref_slice %arg6[%dma_wait3A_136, %dma_wait3A_138, %dma_wait3A_139] : memref<4x104x128xf32, #tpu.memory_space<vmem>> -> memref<1x104x128xf32, #tpu.memory_space<vmem>>
      %dma_wait3A_141 = tpu.memref_squeeze %dma_wait3A_140 : memref<1x104x128xf32, #tpu.memory_space<vmem>> -> memref<104x128xf32, #tpu.memory_space<vmem>>
      %dma_wait3A_142 = arith.constant 0 : i32
      %dma_wait3A_143 = arith.constant 0 : i32
      %dma_wait3A_144 = tpu.memref_slice %arg2[%dma_wait3A_142, %dma_wait3A_143] : memref<100000x128xf32, #tpu.memory_space<hbm>> -> memref<104x128xf32, #tpu.memory_space<hbm>>
      %dma_wait3A_145 = tpu.memref_slice %arg7[%dma_wait3A_137] : memref<4x!tpu.dma_semaphore, #tpu.memory_space<semaphore_mem>> -> memref<1x!tpu.dma_semaphore, #tpu.memory_space<semaphore_mem>>
      %dma_wait3A_146 = tpu.memref_squeeze %dma_wait3A_145 : memref<1x!tpu.dma_semaphore, #tpu.memory_space<semaphore_mem>> -> memref<!tpu.dma_semaphore, #tpu.memory_space<semaphore_mem>>
      %dma_wait3A_147 = arith.constant 0 : i32
      %dma_wait3A_148 = arith.constant 0 : i32
      %dma_wait3A_149 = tpu.memref_slice %arg6[%dma_wait3A_136, %dma_wait3A_147, %dma_wait3A_148] : memref<4x104x128xf32, #tpu.memory_space<vmem>> -> memref<1x104x128xf32, #tpu.memory_space<vmem>>
      %dma_wait3A_150 = tpu.memref_squeeze %dma_wait3A_149 : memref<1x104x128xf32, #tpu.memory_space<vmem>> -> memref<104x128xf32, #tpu.memory_space<vmem>>
      %dma_wait3A_151 = arith.constant 0 : i32
      %dma_wait3A_152 = arith.constant 0 : i32
      %dma_wait3A_153 = tpu.memref_slice %arg2[%dma_wait3A_151, %dma_wait3A_152] : memref<100000x128xf32, #tpu.memory_space<hbm>> -> memref<104x128xf32, #tpu.memory_space<hbm>>
      tpu.wait_dma2 semaphore(%dma_wait3A_146 : memref<!tpu.dma_semaphore, #tpu.memory_space<semaphore_mem>>) src(%dma_wait3A_153 : memref<104x128xf32, #tpu.memory_space<hbm>>) dst(%dma_wait3A_150 : memref<104x128xf32, #tpu.memory_space<vmem>>)
      %add3A_154 = arith.constant 0 : i32
      %add3A_155 = arith.addi %add3A_135, %add3A_154 : i32
      %mul3A_156 = arith.constant 4 : i32
      %mul3A_157 = arith.muli %add3A_155, %mul3A_156 : i32
      %add3A_158 = arith.addi %mul3A_2, %mul3A_157 : i32
      %add3A_159 = arith.constant 0 : i32
      %add3A_160 = arith.addi %add3A_158, %add3A_159 : i32
      %dma_start3A_161 = arith.constant 0 : i32
      %dma_start3A_162 = arith.constant 0 : i32
      %dma_start3A_163 = arith.constant 0 : i32
      %dma_start3A_164 = arith.constant 0 : i32
      %dma_start3A_165 = tpu.memref_slice %arg6[%dma_start3A_161, %dma_start3A_163, %dma_start3A_164] : memref<4x104x128xf32, #tpu.memory_space<vmem>> -> memref<1x104x128xf32, #tpu.memory_space<vmem>>
      %dma_start3A_166 = tpu.memref_squeeze %dma_start3A_165 : memref<1x104x128xf32, #tpu.memory_space<vmem>> -> memref<104x128xf32, #tpu.memory_space<vmem>>
      %dma_start3A_167 = arith.constant 0 : i32
      %dma_start3A_168 = arith.constant 0 : i32
      %dma_start3A_169 = tpu.memref_slice %dma_start3A_166[%dma_start3A_167, %dma_start3A_168] : memref<104x128xf32, #tpu.memory_space<vmem>> -> memref<26x128xf32, #tpu.memory_space<vmem>>
      %dma_start3A_170 = arith.constant 0 : i32
      %dma_start3A_171 = arith.constant 0 : i32
      %dma_start3A_172 = tpu.memref_slice %arg4[%add3A_160, %dma_start3A_170, %dma_start3A_171] : memref<4096x26x128xf32, #tpu.memory_space<hbm>> -> memref<1x26x128xf32, #tpu.memory_space<hbm>>
      %dma_start3A_173 = tpu.memref_squeeze %dma_start3A_172 : memref<1x26x128xf32, #tpu.memory_space<hbm>> -> memref<26x128xf32, #tpu.memory_space<hbm>>
      %dma_start3A_174 = tpu.memref_slice %arg8[%dma_start3A_162] : memref<4x!tpu.dma_semaphore, #tpu.memory_space<semaphore_mem>> -> memref<1x!tpu.dma_semaphore, #tpu.memory_space<semaphore_mem>>
      %dma_start3A_175 = tpu.memref_squeeze %dma_start3A_174 : memref<1x!tpu.dma_semaphore, #tpu.memory_space<semaphore_mem>> -> memref<!tpu.dma_semaphore, #tpu.memory_space<semaphore_mem>>
      %dma_start3A_176 = arith.constant 0 : i32
      %dma_start3A_177 = arith.constant 0 : i32
      %dma_start3A_178 = tpu.memref_slice %arg4[%add3A_160, %dma_start3A_176, %dma_start3A_177] : memref<4096x26x128xf32, #tpu.memory_space<hbm>> -> memref<1x26x128xf32, #tpu.memory_space<hbm>>
      %dma_start3A_179 = tpu.memref_squeeze %dma_start3A_178 : memref<1x26x128xf32, #tpu.memory_space<hbm>> -> memref<26x128xf32, #tpu.memory_space<hbm>>
      %dma_start3A_180 = arith.constant 0 : i32
      %dma_start3A_181 = arith.constant 0 : i32
      %dma_start3A_182 = tpu.memref_slice %arg6[%dma_start3A_161, %dma_start3A_180, %dma_start3A_181] : memref<4x104x128xf32, #tpu.memory_space<vmem>> -> memref<1x104x128xf32, #tpu.memory_space<vmem>>
      %dma_start3A_183 = tpu.memref_squeeze %dma_start3A_182 : memref<1x104x128xf32, #tpu.memory_space<vmem>> -> memref<104x128xf32, #tpu.memory_space<vmem>>
      %dma_start3A_184 = arith.constant 0 : i32
      %dma_start3A_185 = arith.constant 0 : i32
      %dma_start3A_186 = tpu.memref_slice %dma_start3A_183[%dma_start3A_184, %dma_start3A_185] : memref<104x128xf32, #tpu.memory_space<vmem>> -> memref<26x128xf32, #tpu.memory_space<vmem>>
      tpu.enqueue_dma source(%dma_start3A_186 : memref<26x128xf32, #tpu.memory_space<vmem>>) target(%dma_start3A_179 : memref<26x128xf32, #tpu.memory_space<hbm>>) target_semaphore(%dma_start3A_175 : memref<!tpu.dma_semaphore, #tpu.memory_space<semaphore_mem>>)
      %mul3A_187 = arith.constant 4 : i32
      %mul3A_188 = arith.muli %add3A_155, %mul3A_187 : i32
      %add3A_189 = arith.addi %mul3A_2, %mul3A_188 : i32
      %add3A_190 = arith.constant 1 : i32
      %add3A_191 = arith.addi %add3A_189, %add3A_190 : i32
      %dma_start3A_192 = arith.constant 0 : i32
      %dma_start3A_193 = arith.constant 0 : i32
      %dma_start3A_194 = arith.constant 0 : i32
      %dma_start3A_195 = arith.constant 0 : i32
      %dma_start3A_196 = tpu.memref_slice %arg6[%dma_start3A_192, %dma_start3A_194, %dma_start3A_195] : memref<4x104x128xf32, #tpu.memory_space<vmem>> -> memref<1x104x128xf32, #tpu.memory_space<vmem>>
      %dma_start3A_197 = tpu.memref_squeeze %dma_start3A_196 : memref<1x104x128xf32, #tpu.memory_space<vmem>> -> memref<104x128xf32, #tpu.memory_space<vmem>>
      %dma_start3A_198 = arith.constant 26 : i32
      %dma_start3A_199 = arith.constant 0 : i32
      %dma_start3A_200 = tpu.memref_slice %dma_start3A_197[%dma_start3A_198, %dma_start3A_199] : memref<104x128xf32, #tpu.memory_space<vmem>> -> memref<26x128xf32, #tpu.memory_space<vmem>>
      %dma_start3A_201 = arith.constant 0 : i32
      %dma_start3A_202 = arith.constant 0 : i32
      %dma_start3A_203 = tpu.memref_slice %arg4[%add3A_191, %dma_start3A_201, %dma_start3A_202] : memref<4096x26x128xf32, #tpu.memory_space<hbm>> -> memref<1x26x128xf32, #tpu.memory_space<hbm>>
      %dma_start3A_204 = tpu.memref_squeeze %dma_start3A_203 : memref<1x26x128xf32, #tpu.memory_space<hbm>> -> memref<26x128xf32, #tpu.memory_space<hbm>>
      %dma_start3A_205 = tpu.memref_slice %arg8[%dma_start3A_193] : memref<4x!tpu.dma_semaphore, #tpu.memory_space<semaphore_mem>> -> memref<1x!tpu.dma_semaphore, #tpu.memory_space<semaphore_mem>>
      %dma_start3A_206 = tpu.memref_squeeze %dma_start3A_205 : memref<1x!tpu.dma_semaphore, #tpu.memory_space<semaphore_mem>> -> memref<!tpu.dma_semaphore, #tpu.memory_space<semaphore_mem>>
      %dma_start3A_207 = arith.constant 0 : i32
      %dma_start3A_208 = arith.constant 0 : i32
      %dma_start3A_209 = tpu.memref_slice %arg4[%add3A_191, %dma_start3A_207, %dma_start3A_208] : memref<4096x26x128xf32, #tpu.memory_space<hbm>> -> memref<1x26x128xf32, #tpu.memory_space<hbm>>
      %dma_start3A_210 = tpu.memref_squeeze %dma_start3A_209 : memref<1x26x128xf32, #tpu.memory_space<hbm>> -> memref<26x128xf32, #tpu.memory_space<hbm>>
      %dma_start3A_211 = arith.constant 0 : i32
      %dma_start3A_212 = arith.constant 0 : i32
      %dma_start3A_213 = tpu.memref_slice %arg6[%dma_start3A_192, %dma_start3A_211, %dma_start3A_212] : memref<4x104x128xf32, #tpu.memory_space<vmem>> -> memref<1x104x128xf32, #tpu.memory_space<vmem>>
      %dma_start3A_214 = tpu.memref_squeeze %dma_start3A_213 : memref<1x104x128xf32, #tpu.memory_space<vmem>> -> memref<104x128xf32, #tpu.memory_space<vmem>>
      %dma_start3A_215 = arith.constant 26 : i32
      %dma_start3A_216 = arith.constant 0 : i32
      %dma_start3A_217 = tpu.memref_slice %dma_start3A_214[%dma_start3A_215, %dma_start3A_216] : memref<104x128xf32, #tpu.memory_space<vmem>> -> memref<26x128xf32, #tpu.memory_space<vmem>>
      tpu.enqueue_dma source(%dma_start3A_217 : memref<26x128xf32, #tpu.memory_space<vmem>>) target(%dma_start3A_210 : memref<26x128xf32, #tpu.memory_space<hbm>>) target_semaphore(%dma_start3A_206 : memref<!tpu.dma_semaphore, #tpu.memory_space<semaphore_mem>>)
      %mul3A_218 = arith.constant 4 : i32
      %mul3A_219 = arith.muli %add3A_155, %mul3A_218 : i32
      %add3A_220 = arith.addi %mul3A_2, %mul3A_219 : i32
      %add3A_221 = arith.constant 2 : i32
      %add3A_222 = arith.addi %add3A_220, %add3A_221 : i32
      %dma_start3A_223 = arith.constant 0 : i32
      %dma_start3A_224 = arith.constant 0 : i32
      %dma_start3A_225 = arith.constant 0 : i32
      %dma_start3A_226 = arith.constant 0 : i32
      %dma_start3A_227 = tpu.memref_slice %arg6[%dma_start3A_223, %dma_start3A_225, %dma_start3A_226] : memref<4x104x128xf32, #tpu.memory_space<vmem>> -> memref<1x104x128xf32, #tpu.memory_space<vmem>>
      %dma_start3A_228 = tpu.memref_squeeze %dma_start3A_227 : memref<1x104x128xf32, #tpu.memory_space<vmem>> -> memref<104x128xf32, #tpu.memory_space<vmem>>
      %dma_start3A_229 = arith.constant 52 : i32
      %dma_start3A_230 = arith.constant 0 : i32
      %dma_start3A_231 = tpu.memref_slice %dma_start3A_228[%dma_start3A_229, %dma_start3A_230] : memref<104x128xf32, #tpu.memory_space<vmem>> -> memref<26x128xf32, #tpu.memory_space<vmem>>
      %dma_start3A_232 = arith.constant 0 : i32
      %dma_start3A_233 = arith.constant 0 : i32
      %dma_start3A_234 = tpu.memref_slice %arg4[%add3A_222, %dma_start3A_232, %dma_start3A_233] : memref<4096x26x128xf32, #tpu.memory_space<hbm>> -> memref<1x26x128xf32, #tpu.memory_space<hbm>>
      %dma_start3A_235 = tpu.memref_squeeze %dma_start3A_234 : memref<1x26x128xf32, #tpu.memory_space<hbm>> -> memref<26x128xf32, #tpu.memory_space<hbm>>
      %dma_start3A_236 = tpu.memref_slice %arg8[%dma_start3A_224] : memref<4x!tpu.dma_semaphore, #tpu.memory_space<semaphore_mem>> -> memref<1x!tpu.dma_semaphore, #tpu.memory_space<semaphore_mem>>
      %dma_start3A_237 = tpu.memref_squeeze %dma_start3A_236 : memref<1x!tpu.dma_semaphore, #tpu.memory_space<semaphore_mem>> -> memref<!tpu.dma_semaphore, #tpu.memory_space<semaphore_mem>>
      %dma_start3A_238 = arith.constant 0 : i32
      %dma_start3A_239 = arith.constant 0 : i32
      %dma_start3A_240 = tpu.memref_slice %arg4[%add3A_222, %dma_start3A_238, %dma_start3A_239] : memref<4096x26x128xf32, #tpu.memory_space<hbm>> -> memref<1x26x128xf32, #tpu.memory_space<hbm>>
      %dma_start3A_241 = tpu.memref_squeeze %dma_start3A_240 : memref<1x26x128xf32, #tpu.memory_space<hbm>> -> memref<26x128xf32, #tpu.memory_space<hbm>>
      %dma_start3A_242 = arith.constant 0 : i32
      %dma_start3A_243 = arith.constant 0 : i32
      %dma_start3A_244 = tpu.memref_slice %arg6[%dma_start3A_223, %dma_start3A_242, %dma_start3A_243] : memref<4x104x128xf32, #tpu.memory_space<vmem>> -> memref<1x104x128xf32, #tpu.memory_space<vmem>>
      %dma_start3A_245 = tpu.memref_squeeze %dma_start3A_244 : memref<1x104x128xf32, #tpu.memory_space<vmem>> -> memref<104x128xf32, #tpu.memory_space<vmem>>
      %dma_start3A_246 = arith.constant 52 : i32
      %dma_start3A_247 = arith.constant 0 : i32
      %dma_start3A_248 = tpu.memref_slice %dma_start3A_245[%dma_start3A_246, %dma_start3A_247] : memref<104x128xf32, #tpu.memory_space<vmem>> -> memref<26x128xf32, #tpu.memory_space<vmem>>
      tpu.enqueue_dma source(%dma_start3A_248 : memref<26x128xf32, #tpu.memory_space<vmem>>) target(%dma_start3A_241 : memref<26x128xf32, #tpu.memory_space<hbm>>) target_semaphore(%dma_start3A_237 : memref<!tpu.dma_semaphore, #tpu.memory_space<semaphore_mem>>)
      %mul3A_249 = arith.constant 4 : i32
      %mul3A_250 = arith.muli %add3A_155, %mul3A_249 : i32
      %add3A_251 = arith.addi %mul3A_2, %mul3A_250 : i32
      %add3A_252 = arith.constant 3 : i32
      %add3A_253 = arith.addi %add3A_251, %add3A_252 : i32
      %dma_start3A_254 = arith.constant 0 : i32
      %dma_start3A_255 = arith.constant 0 : i32
      %dma_start3A_256 = arith.constant 0 : i32
      %dma_start3A_257 = arith.constant 0 : i32
      %dma_start3A_258 = tpu.memref_slice %arg6[%dma_start3A_254, %dma_start3A_256, %dma_start3A_257] : memref<4x104x128xf32, #tpu.memory_space<vmem>> -> memref<1x104x128xf32, #tpu.memory_space<vmem>>
      %dma_start3A_259 = tpu.memref_squeeze %dma_start3A_258 : memref<1x104x128xf32, #tpu.memory_space<vmem>> -> memref<104x128xf32, #tpu.memory_space<vmem>>
      %dma_start3A_260 = arith.constant 78 : i32
      %dma_start3A_261 = arith.constant 0 : i32
      %dma_start3A_262 = tpu.memref_slice %dma_start3A_259[%dma_start3A_260, %dma_start3A_261] : memref<104x128xf32, #tpu.memory_space<vmem>> -> memref<26x128xf32, #tpu.memory_space<vmem>>
      %dma_start3A_263 = arith.constant 0 : i32
      %dma_start3A_264 = arith.constant 0 : i32
      %dma_start3A_265 = tpu.memref_slice %arg4[%add3A_253, %dma_start3A_263, %dma_start3A_264] : memref<4096x26x128xf32, #tpu.memory_space<hbm>> -> memref<1x26x128xf32, #tpu.memory_space<hbm>>
      %dma_start3A_266 = tpu.memref_squeeze %dma_start3A_265 : memref<1x26x128xf32, #tpu.memory_space<hbm>> -> memref<26x128xf32, #tpu.memory_space<hbm>>
      %dma_start3A_267 = tpu.memref_slice %arg8[%dma_start3A_255] : memref<4x!tpu.dma_semaphore, #tpu.memory_space<semaphore_mem>> -> memref<1x!tpu.dma_semaphore, #tpu.memory_space<semaphore_mem>>
      %dma_start3A_268 = tpu.memref_squeeze %dma_start3A_267 : memref<1x!tpu.dma_semaphore, #tpu.memory_space<semaphore_mem>> -> memref<!tpu.dma_semaphore, #tpu.memory_space<semaphore_mem>>
      %dma_start3A_269 = arith.constant 0 : i32
      %dma_start3A_270 = arith.constant 0 : i32
      %dma_start3A_271 = tpu.memref_slice %arg4[%add3A_253, %dma_start3A_269, %dma_start3A_270] : memref<4096x26x128xf32, #tpu.memory_space<hbm>> -> memref<1x26x128xf32, #tpu.memory_space<hbm>>
      %dma_start3A_272 = tpu.memref_squeeze %dma_start3A_271 : memref<1x26x128xf32, #tpu.memory_space<hbm>> -> memref<26x128xf32, #tpu.memory_space<hbm>>
      %dma_start3A_273 = arith.constant 0 : i32
      %dma_start3A_274 = arith.constant 0 : i32
      %dma_start3A_275 = tpu.memref_slice %arg6[%dma_start3A_254, %dma_start3A_273, %dma_start3A_274] : memref<4x104x128xf32, #tpu.memory_space<vmem>> -> memref<1x104x128xf32, #tpu.memory_space<vmem>>
      %dma_start3A_276 = tpu.memref_squeeze %dma_start3A_275 : memref<1x104x128xf32, #tpu.memory_space<vmem>> -> memref<104x128xf32, #tpu.memory_space<vmem>>
      %dma_start3A_277 = arith.constant 78 : i32
      %dma_start3A_278 = arith.constant 0 : i32
      %dma_start3A_279 = tpu.memref_slice %dma_start3A_276[%dma_start3A_277, %dma_start3A_278] : memref<104x128xf32, #tpu.memory_space<vmem>> -> memref<26x128xf32, #tpu.memory_space<vmem>>
      tpu.enqueue_dma source(%dma_start3A_279 : memref<26x128xf32, #tpu.memory_space<vmem>>) target(%dma_start3A_272 : memref<26x128xf32, #tpu.memory_space<hbm>>) target_semaphore(%dma_start3A_268 : memref<!tpu.dma_semaphore, #tpu.memory_space<semaphore_mem>>)
      %dma_wait3A_280 = arith.constant 1 : i32
      %dma_wait3A_281 = arith.constant 1 : i32
      %dma_wait3A_282 = arith.constant 0 : i32
      %dma_wait3A_283 = arith.constant 0 : i32
      %dma_wait3A_284 = tpu.memref_slice %arg6[%dma_wait3A_280, %dma_wait3A_282, %dma_wait3A_283] : memref<4x104x128xf32, #tpu.memory_space<vmem>> -> memref<1x104x128xf32, #tpu.memory_space<vmem>>
      %dma_wait3A_285 = tpu.memref_squeeze %dma_wait3A_284 : memref<1x104x128xf32, #tpu.memory_space<vmem>> -> memref<104x128xf32, #tpu.memory_space<vmem>>
      %dma_wait3A_286 = arith.constant 0 : i32
      %dma_wait3A_287 = arith.constant 0 : i32
      %dma_wait3A_288 = tpu.memref_slice %arg2[%dma_wait3A_286, %dma_wait3A_287] : memref<100000x128xf32, #tpu.memory_space<hbm>> -> memref<104x128xf32, #tpu.memory_space<hbm>>
      %dma_wait3A_289 = tpu.memref_slice %arg7[%dma_wait3A_281] : memref<4x!tpu.dma_semaphore, #tpu.memory_space<semaphore_mem>> -> memref<1x!tpu.dma_semaphore, #tpu.memory_space<semaphore_mem>>
      %dma_wait3A_290 = tpu.memref_squeeze %dma_wait3A_289 : memref<1x!tpu.dma_semaphore, #tpu.memory_space<semaphore_mem>> -> memref<!tpu.dma_semaphore, #tpu.memory_space<semaphore_mem>>
      %dma_wait3A_291 = arith.constant 0 : i32
      %dma_wait3A_292 = arith.constant 0 : i32
      %dma_wait3A_293 = tpu.memref_slice %arg6[%dma_wait3A_280, %dma_wait3A_291, %dma_wait3A_292] : memref<4x104x128xf32, #tpu.memory_space<vmem>> -> memref<1x104x128xf32, #tpu.memory_space<vmem>>
      %dma_wait3A_294 = tpu.memref_squeeze %dma_wait3A_293 : memref<1x104x128xf32, #tpu.memory_space<vmem>> -> memref<104x128xf32, #tpu.memory_space<vmem>>
      %dma_wait3A_295 = arith.constant 0 : i32
      %dma_wait3A_296 = arith.constant 0 : i32
      %dma_wait3A_297 = tpu.memref_slice %arg2[%dma_wait3A_295, %dma_wait3A_296] : memref<100000x128xf32, #tpu.memory_space<hbm>> -> memref<104x128xf32, #tpu.memory_space<hbm>>
      tpu.wait_dma2 semaphore(%dma_wait3A_290 : memref<!tpu.dma_semaphore, #tpu.memory_space<semaphore_mem>>) src(%dma_wait3A_297 : memref<104x128xf32, #tpu.memory_space<hbm>>) dst(%dma_wait3A_294 : memref<104x128xf32, #tpu.memory_space<vmem>>)
      %add3A_298 = arith.constant 1 : i32
      %add3A_299 = arith.addi %add3A_135, %add3A_298 : i32
      %mul3A_300 = arith.constant 4 : i32
      %mul3A_301 = arith.muli %add3A_299, %mul3A_300 : i32
      %add3A_302 = arith.addi %mul3A_2, %mul3A_301 : i32
      %add3A_303 = arith.constant 0 : i32
      %add3A_304 = arith.addi %add3A_302, %add3A_303 : i32
      %dma_start3A_305 = arith.constant 1 : i32
      %dma_start3A_306 = arith.constant 1 : i32
      %dma_start3A_307 = arith.constant 0 : i32
      %dma_start3A_308 = arith.constant 0 : i32
      %dma_start3A_309 = tpu.memref_slice %arg6[%dma_start3A_305, %dma_start3A_307, %dma_start3A_308] : memref<4x104x128xf32, #tpu.memory_space<vmem>> -> memref<1x104x128xf32, #tpu.memory_space<vmem>>
      %dma_start3A_310 = tpu.memref_squeeze %dma_start3A_309 : memref<1x104x128xf32, #tpu.memory_space<vmem>> -> memref<104x128xf32, #tpu.memory_space<vmem>>
      %dma_start3A_311 = arith.constant 0 : i32
      %dma_start3A_312 = arith.constant 0 : i32
      %dma_start3A_313 = tpu.memref_slice %dma_start3A_310[%dma_start3A_311, %dma_start3A_312] : memref<104x128xf32, #tpu.memory_space<vmem>> -> memref<26x128xf32, #tpu.memory_space<vmem>>
      %dma_start3A_314 = arith.constant 0 : i32
      %dma_start3A_315 = arith.constant 0 : i32
      %dma_start3A_316 = tpu.memref_slice %arg4[%add3A_304, %dma_start3A_314, %dma_start3A_315] : memref<4096x26x128xf32, #tpu.memory_space<hbm>> -> memref<1x26x128xf32, #tpu.memory_space<hbm>>
      %dma_start3A_317 = tpu.memref_squeeze %dma_start3A_316 : memref<1x26x128xf32, #tpu.memory_space<hbm>> -> memref<26x128xf32, #tpu.memory_space<hbm>>
      %dma_start3A_318 = tpu.memref_slice %arg8[%dma_start3A_306] : memref<4x!tpu.dma_semaphore, #tpu.memory_space<semaphore_mem>> -> memref<1x!tpu.dma_semaphore, #tpu.memory_space<semaphore_mem>>
      %dma_start3A_319 = tpu.memref_squeeze %dma_start3A_318 : memref<1x!tpu.dma_semaphore, #tpu.memory_space<semaphore_mem>> -> memref<!tpu.dma_semaphore, #tpu.memory_space<semaphore_mem>>
      %dma_start3A_320 = arith.constant 0 : i32
      %dma_start3A_321 = arith.constant 0 : i32
      %dma_start3A_322 = tpu.memref_slice %arg4[%add3A_304, %dma_start3A_320, %dma_start3A_321] : memref<4096x26x128xf32, #tpu.memory_space<hbm>> -> memref<1x26x128xf32, #tpu.memory_space<hbm>>
      %dma_start3A_323 = tpu.memref_squeeze %dma_start3A_322 : memref<1x26x128xf32, #tpu.memory_space<hbm>> -> memref<26x128xf32, #tpu.memory_space<hbm>>
      %dma_start3A_324 = arith.constant 0 : i32
      %dma_start3A_325 = arith.constant 0 : i32
      %dma_start3A_326 = tpu.memref_slice %arg6[%dma_start3A_305, %dma_start3A_324, %dma_start3A_325] : memref<4x104x128xf32, #tpu.memory_space<vmem>> -> memref<1x104x128xf32, #tpu.memory_space<vmem>>
      %dma_start3A_327 = tpu.memref_squeeze %dma_start3A_326 : memref<1x104x128xf32, #tpu.memory_space<vmem>> -> memref<104x128xf32, #tpu.memory_space<vmem>>
      %dma_start3A_328 = arith.constant 0 : i32
      %dma_start3A_329 = arith.constant 0 : i32
      %dma_start3A_330 = tpu.memref_slice %dma_start3A_327[%dma_start3A_328, %dma_start3A_329] : memref<104x128xf32, #tpu.memory_space<vmem>> -> memref<26x128xf32, #tpu.memory_space<vmem>>
      tpu.enqueue_dma source(%dma_start3A_330 : memref<26x128xf32, #tpu.memory_space<vmem>>) target(%dma_start3A_323 : memref<26x128xf32, #tpu.memory_space<hbm>>) target_semaphore(%dma_start3A_319 : memref<!tpu.dma_semaphore, #tpu.memory_space<semaphore_mem>>)
      %mul3A_331 = arith.constant 4 : i32
      %mul3A_332 = arith.muli %add3A_299, %mul3A_331 : i32
      %add3A_333 = arith.addi %mul3A_2, %mul3A_332 : i32
      %add3A_334 = arith.constant 1 : i32
      %add3A_335 = arith.addi %add3A_333, %add3A_334 : i32
      %dma_start3A_336 = arith.constant 1 : i32
      %dma_start3A_337 = arith.constant 1 : i32
      %dma_start3A_338 = arith.constant 0 : i32
      %dma_start3A_339 = arith.constant 0 : i32
      %dma_start3A_340 = tpu.memref_slice %arg6[%dma_start3A_336, %dma_start3A_338, %dma_start3A_339] : memref<4x104x128xf32, #tpu.memory_space<vmem>> -> memref<1x104x128xf32, #tpu.memory_space<vmem>>
      %dma_start3A_341 = tpu.memref_squeeze %dma_start3A_340 : memref<1x104x128xf32, #tpu.memory_space<vmem>> -> memref<104x128xf32, #tpu.memory_space<vmem>>
      %dma_start3A_342 = arith.constant 26 : i32
      %dma_start3A_343 = arith.constant 0 : i32
      %dma_start3A_344 = tpu.memref_slice %dma_start3A_341[%dma_start3A_342, %dma_start3A_343] : memref<104x128xf32, #tpu.memory_space<vmem>> -> memref<26x128xf32, #tpu.memory_space<vmem>>
      %dma_start3A_345 = arith.constant 0 : i32
      %dma_start3A_346 = arith.constant 0 : i32
      %dma_start3A_347 = tpu.memref_slice %arg4[%add3A_335, %dma_start3A_345, %dma_start3A_346] : memref<4096x26x128xf32, #tpu.memory_space<hbm>> -> memref<1x26x128xf32, #tpu.memory_space<hbm>>
      %dma_start3A_348 = tpu.memref_squeeze %dma_start3A_347 : memref<1x26x128xf32, #tpu.memory_space<hbm>> -> memref<26x128xf32, #tpu.memory_space<hbm>>
      %dma_start3A_349 = tpu.memref_slice %arg8[%dma_start3A_337] : memref<4x!tpu.dma_semaphore, #tpu.memory_space<semaphore_mem>> -> memref<1x!tpu.dma_semaphore, #tpu.memory_space<semaphore_mem>>
      %dma_start3A_350 = tpu.memref_squeeze %dma_start3A_349 : memref<1x!tpu.dma_semaphore, #tpu.memory_space<semaphore_mem>> -> memref<!tpu.dma_semaphore, #tpu.memory_space<semaphore_mem>>
      %dma_start3A_351 = arith.constant 0 : i32
      %dma_start3A_352 = arith.constant 0 : i32
      %dma_start3A_353 = tpu.memref_slice %arg4[%add3A_335, %dma_start3A_351, %dma_start3A_352] : memref<4096x26x128xf32, #tpu.memory_space<hbm>> -> memref<1x26x128xf32, #tpu.memory_space<hbm>>
      %dma_start3A_354 = tpu.memref_squeeze %dma_start3A_353 : memref<1x26x128xf32, #tpu.memory_space<hbm>> -> memref<26x128xf32, #tpu.memory_space<hbm>>
      %dma_start3A_355 = arith.constant 0 : i32
      %dma_start3A_356 = arith.constant 0 : i32
      %dma_start3A_357 = tpu.memref_slice %arg6[%dma_start3A_336, %dma_start3A_355, %dma_start3A_356] : memref<4x104x128xf32, #tpu.memory_space<vmem>> -> memref<1x104x128xf32, #tpu.memory_space<vmem>>
      %dma_start3A_358 = tpu.memref_squeeze %dma_start3A_357 : memref<1x104x128xf32, #tpu.memory_space<vmem>> -> memref<104x128xf32, #tpu.memory_space<vmem>>
      %dma_start3A_359 = arith.constant 26 : i32
      %dma_start3A_360 = arith.constant 0 : i32
      %dma_start3A_361 = tpu.memref_slice %dma_start3A_358[%dma_start3A_359, %dma_start3A_360] : memref<104x128xf32, #tpu.memory_space<vmem>> -> memref<26x128xf32, #tpu.memory_space<vmem>>
      tpu.enqueue_dma source(%dma_start3A_361 : memref<26x128xf32, #tpu.memory_space<vmem>>) target(%dma_start3A_354 : memref<26x128xf32, #tpu.memory_space<hbm>>) target_semaphore(%dma_start3A_350 : memref<!tpu.dma_semaphore, #tpu.memory_space<semaphore_mem>>)
      %mul3A_362 = arith.constant 4 : i32
      %mul3A_363 = arith.muli %add3A_299, %mul3A_362 : i32
      %add3A_364 = arith.addi %mul3A_2, %mul3A_363 : i32
      %add3A_365 = arith.constant 2 : i32
      %add3A_366 = arith.addi %add3A_364, %add3A_365 : i32
      %dma_start3A_367 = arith.constant 1 : i32
      %dma_start3A_368 = arith.constant 1 : i32
      %dma_start3A_369 = arith.constant 0 : i32
      %dma_start3A_370 = arith.constant 0 : i32
      %dma_start3A_371 = tpu.memref_slice %arg6[%dma_start3A_367, %dma_start3A_369, %dma_start3A_370] : memref<4x104x128xf32, #tpu.memory_space<vmem>> -> memref<1x104x128xf32, #tpu.memory_space<vmem>>
      %dma_start3A_372 = tpu.memref_squeeze %dma_start3A_371 : memref<1x104x128xf32, #tpu.memory_space<vmem>> -> memref<104x128xf32, #tpu.memory_space<vmem>>
      %dma_start3A_373 = arith.constant 52 : i32
      %dma_start3A_374 = arith.constant 0 : i32
      %dma_start3A_375 = tpu.memref_slice %dma_start3A_372[%dma_start3A_373, %dma_start3A_374] : memref<104x128xf32, #tpu.memory_space<vmem>> -> memref<26x128xf32, #tpu.memory_space<vmem>>
      %dma_start3A_376 = arith.constant 0 : i32
      %dma_start3A_377 = arith.constant 0 : i32
      %dma_start3A_378 = tpu.memref_slice %arg4[%add3A_366, %dma_start3A_376, %dma_start3A_377] : memref<4096x26x128xf32, #tpu.memory_space<hbm>> -> memref<1x26x128xf32, #tpu.memory_space<hbm>>
      %dma_start3A_379 = tpu.memref_squeeze %dma_start3A_378 : memref<1x26x128xf32, #tpu.memory_space<hbm>> -> memref<26x128xf32, #tpu.memory_space<hbm>>
      %dma_start3A_380 = tpu.memref_slice %arg8[%dma_start3A_368] : memref<4x!tpu.dma_semaphore, #tpu.memory_space<semaphore_mem>> -> memref<1x!tpu.dma_semaphore, #tpu.memory_space<semaphore_mem>>
      %dma_start3A_381 = tpu.memref_squeeze %dma_start3A_380 : memref<1x!tpu.dma_semaphore, #tpu.memory_space<semaphore_mem>> -> memref<!tpu.dma_semaphore, #tpu.memory_space<semaphore_mem>>
      %dma_start3A_382 = arith.constant 0 : i32
      %dma_start3A_383 = arith.constant 0 : i32
      %dma_start3A_384 = tpu.memref_slice %arg4[%add3A_366, %dma_start3A_382, %dma_start3A_383] : memref<4096x26x128xf32, #tpu.memory_space<hbm>> -> memref<1x26x128xf32, #tpu.memory_space<hbm>>
      %dma_start3A_385 = tpu.memref_squeeze %dma_start3A_384 : memref<1x26x128xf32, #tpu.memory_space<hbm>> -> memref<26x128xf32, #tpu.memory_space<hbm>>
      %dma_start3A_386 = arith.constant 0 : i32
      %dma_start3A_387 = arith.constant 0 : i32
      %dma_start3A_388 = tpu.memref_slice %arg6[%dma_start3A_367, %dma_start3A_386, %dma_start3A_387] : memref<4x104x128xf32, #tpu.memory_space<vmem>> -> memref<1x104x128xf32, #tpu.memory_space<vmem>>
      %dma_start3A_389 = tpu.memref_squeeze %dma_start3A_388 : memref<1x104x128xf32, #tpu.memory_space<vmem>> -> memref<104x128xf32, #tpu.memory_space<vmem>>
      %dma_start3A_390 = arith.constant 52 : i32
      %dma_start3A_391 = arith.constant 0 : i32
      %dma_start3A_392 = tpu.memref_slice %dma_start3A_389[%dma_start3A_390, %dma_start3A_391] : memref<104x128xf32, #tpu.memory_space<vmem>> -> memref<26x128xf32, #tpu.memory_space<vmem>>
      tpu.enqueue_dma source(%dma_start3A_392 : memref<26x128xf32, #tpu.memory_space<vmem>>) target(%dma_start3A_385 : memref<26x128xf32, #tpu.memory_space<hbm>>) target_semaphore(%dma_start3A_381 : memref<!tpu.dma_semaphore, #tpu.memory_space<semaphore_mem>>)
      %mul3A_393 = arith.constant 4 : i32
      %mul3A_394 = arith.muli %add3A_299, %mul3A_393 : i32
      %add3A_395 = arith.addi %mul3A_2, %mul3A_394 : i32
      %add3A_396 = arith.constant 3 : i32
      %add3A_397 = arith.addi %add3A_395, %add3A_396 : i32
      %dma_start3A_398 = arith.constant 1 : i32
      %dma_start3A_399 = arith.constant 1 : i32
      %dma_start3A_400 = arith.constant 0 : i32
      %dma_start3A_401 = arith.constant 0 : i32
      %dma_start3A_402 = tpu.memref_slice %arg6[%dma_start3A_398, %dma_start3A_400, %dma_start3A_401] : memref<4x104x128xf32, #tpu.memory_space<vmem>> -> memref<1x104x128xf32, #tpu.memory_space<vmem>>
      %dma_start3A_403 = tpu.memref_squeeze %dma_start3A_402 : memref<1x104x128xf32, #tpu.memory_space<vmem>> -> memref<104x128xf32, #tpu.memory_space<vmem>>
      %dma_start3A_404 = arith.constant 78 : i32
      %dma_start3A_405 = arith.constant 0 : i32
      %dma_start3A_406 = tpu.memref_slice %dma_start3A_403[%dma_start3A_404, %dma_start3A_405] : memref<104x128xf32, #tpu.memory_space<vmem>> -> memref<26x128xf32, #tpu.memory_space<vmem>>
      %dma_start3A_407 = arith.constant 0 : i32
      %dma_start3A_408 = arith.constant 0 : i32
      %dma_start3A_409 = tpu.memref_slice %arg4[%add3A_397, %dma_start3A_407, %dma_start3A_408] : memref<4096x26x128xf32, #tpu.memory_space<hbm>> -> memref<1x26x128xf32, #tpu.memory_space<hbm>>
      %dma_start3A_410 = tpu.memref_squeeze %dma_start3A_409 : memref<1x26x128xf32, #tpu.memory_space<hbm>> -> memref<26x128xf32, #tpu.memory_space<hbm>>
      %dma_start3A_411 = tpu.memref_slice %arg8[%dma_start3A_399] : memref<4x!tpu.dma_semaphore, #tpu.memory_space<semaphore_mem>> -> memref<1x!tpu.dma_semaphore, #tpu.memory_space<semaphore_mem>>
      %dma_start3A_412 = tpu.memref_squeeze %dma_start3A_411 : memref<1x!tpu.dma_semaphore, #tpu.memory_space<semaphore_mem>> -> memref<!tpu.dma_semaphore, #tpu.memory_space<semaphore_mem>>
      %dma_start3A_413 = arith.constant 0 : i32
      %dma_start3A_414 = arith.constant 0 : i32
      %dma_start3A_415 = tpu.memref_slice %arg4[%add3A_397, %dma_start3A_413, %dma_start3A_414] : memref<4096x26x128xf32, #tpu.memory_space<hbm>> -> memref<1x26x128xf32, #tpu.memory_space<hbm>>
      %dma_start3A_416 = tpu.memref_squeeze %dma_start3A_415 : memref<1x26x128xf32, #tpu.memory_space<hbm>> -> memref<26x128xf32, #tpu.memory_space<hbm>>
      %dma_start3A_417 = arith.constant 0 : i32
      %dma_start3A_418 = arith.constant 0 : i32
      %dma_start3A_419 = tpu.memref_slice %arg6[%dma_start3A_398, %dma_start3A_417, %dma_start3A_418] : memref<4x104x128xf32, #tpu.memory_space<vmem>> -> memref<1x104x128xf32, #tpu.memory_space<vmem>>
      %dma_start3A_420 = tpu.memref_squeeze %dma_start3A_419 : memref<1x104x128xf32, #tpu.memory_space<vmem>> -> memref<104x128xf32, #tpu.memory_space<vmem>>
      %dma_start3A_421 = arith.constant 78 : i32
      %dma_start3A_422 = arith.constant 0 : i32
      %dma_start3A_423 = tpu.memref_slice %dma_start3A_420[%dma_start3A_421, %dma_start3A_422] : memref<104x128xf32, #tpu.memory_space<vmem>> -> memref<26x128xf32, #tpu.memory_space<vmem>>
      tpu.enqueue_dma source(%dma_start3A_423 : memref<26x128xf32, #tpu.memory_space<vmem>>) target(%dma_start3A_416 : memref<26x128xf32, #tpu.memory_space<hbm>>) target_semaphore(%dma_start3A_412 : memref<!tpu.dma_semaphore, #tpu.memory_space<semaphore_mem>>)
      %dma_wait3A_424 = arith.constant 2 : i32
      %dma_wait3A_425 = arith.constant 2 : i32
      %dma_wait3A_426 = arith.constant 0 : i32
      %dma_wait3A_427 = arith.constant 0 : i32
      %dma_wait3A_428 = tpu.memref_slice %arg6[%dma_wait3A_424, %dma_wait3A_426, %dma_wait3A_427] : memref<4x104x128xf32, #tpu.memory_space<vmem>> -> memref<1x104x128xf32, #tpu.memory_space<vmem>>
      %dma_wait3A_429 = tpu.memref_squeeze %dma_wait3A_428 : memref<1x104x128xf32, #tpu.memory_space<vmem>> -> memref<104x128xf32, #tpu.memory_space<vmem>>
      %dma_wait3A_430 = arith.constant 0 : i32
      %dma_wait3A_431 = arith.constant 0 : i32
      %dma_wait3A_432 = tpu.memref_slice %arg2[%dma_wait3A_430, %dma_wait3A_431] : memref<100000x128xf32, #tpu.memory_space<hbm>> -> memref<104x128xf32, #tpu.memory_space<hbm>>
      %dma_wait3A_433 = tpu.memref_slice %arg7[%dma_wait3A_425] : memref<4x!tpu.dma_semaphore, #tpu.memory_space<semaphore_mem>> -> memref<1x!tpu.dma_semaphore, #tpu.memory_space<semaphore_mem>>
      %dma_wait3A_434 = tpu.memref_squeeze %dma_wait3A_433 : memref<1x!tpu.dma_semaphore, #tpu.memory_space<semaphore_mem>> -> memref<!tpu.dma_semaphore, #tpu.memory_space<semaphore_mem>>
      %dma_wait3A_435 = arith.constant 0 : i32
      %dma_wait3A_436 = arith.constant 0 : i32
      %dma_wait3A_437 = tpu.memref_slice %arg6[%dma_wait3A_424, %dma_wait3A_435, %dma_wait3A_436] : memref<4x104x128xf32, #tpu.memory_space<vmem>> -> memref<1x104x128xf32, #tpu.memory_space<vmem>>
      %dma_wait3A_438 = tpu.memref_squeeze %dma_wait3A_437 : memref<1x104x128xf32, #tpu.memory_space<vmem>> -> memref<104x128xf32, #tpu.memory_space<vmem>>
      %dma_wait3A_439 = arith.constant 0 : i32
      %dma_wait3A_440 = arith.constant 0 : i32
      %dma_wait3A_441 = tpu.memref_slice %arg2[%dma_wait3A_439, %dma_wait3A_440] : memref<100000x128xf32, #tpu.memory_space<hbm>> -> memref<104x128xf32, #tpu.memory_space<hbm>>
      tpu.wait_dma2 semaphore(%dma_wait3A_434 : memref<!tpu.dma_semaphore, #tpu.memory_space<semaphore_mem>>) src(%dma_wait3A_441 : memref<104x128xf32, #tpu.memory_space<hbm>>) dst(%dma_wait3A_438 : memref<104x128xf32, #tpu.memory_space<vmem>>)
      %add3A_442 = arith.constant 2 : i32
      %add3A_443 = arith.addi %add3A_135, %add3A_442 : i32
      %mul3A_444 = arith.constant 4 : i32
      %mul3A_445 = arith.muli %add3A_443, %mul3A_444 : i32
      %add3A_446 = arith.addi %mul3A_2, %mul3A_445 : i32
      %add3A_447 = arith.constant 0 : i32
      %add3A_448 = arith.addi %add3A_446, %add3A_447 : i32
      %dma_start3A_449 = arith.constant 2 : i32
      %dma_start3A_450 = arith.constant 2 : i32
      %dma_start3A_451 = arith.constant 0 : i32
      %dma_start3A_452 = arith.constant 0 : i32
      %dma_start3A_453 = tpu.memref_slice %arg6[%dma_start3A_449, %dma_start3A_451, %dma_start3A_452] : memref<4x104x128xf32, #tpu.memory_space<vmem>> -> memref<1x104x128xf32, #tpu.memory_space<vmem>>
      %dma_start3A_454 = tpu.memref_squeeze %dma_start3A_453 : memref<1x104x128xf32, #tpu.memory_space<vmem>> -> memref<104x128xf32, #tpu.memory_space<vmem>>
      %dma_start3A_455 = arith.constant 0 : i32
      %dma_start3A_456 = arith.constant 0 : i32
      %dma_start3A_457 = tpu.memref_slice %dma_start3A_454[%dma_start3A_455, %dma_start3A_456] : memref<104x128xf32, #tpu.memory_space<vmem>> -> memref<26x128xf32, #tpu.memory_space<vmem>>
      %dma_start3A_458 = arith.constant 0 : i32
      %dma_start3A_459 = arith.constant 0 : i32
      %dma_start3A_460 = tpu.memref_slice %arg4[%add3A_448, %dma_start3A_458, %dma_start3A_459] : memref<4096x26x128xf32, #tpu.memory_space<hbm>> -> memref<1x26x128xf32, #tpu.memory_space<hbm>>
      %dma_start3A_461 = tpu.memref_squeeze %dma_start3A_460 : memref<1x26x128xf32, #tpu.memory_space<hbm>> -> memref<26x128xf32, #tpu.memory_space<hbm>>
      %dma_start3A_462 = tpu.memref_slice %arg8[%dma_start3A_450] : memref<4x!tpu.dma_semaphore, #tpu.memory_space<semaphore_mem>> -> memref<1x!tpu.dma_semaphore, #tpu.memory_space<semaphore_mem>>
      %dma_start3A_463 = tpu.memref_squeeze %dma_start3A_462 : memref<1x!tpu.dma_semaphore, #tpu.memory_space<semaphore_mem>> -> memref<!tpu.dma_semaphore, #tpu.memory_space<semaphore_mem>>
      %dma_start3A_464 = arith.constant 0 : i32
      %dma_start3A_465 = arith.constant 0 : i32
      %dma_start3A_466 = tpu.memref_slice %arg4[%add3A_448, %dma_start3A_464, %dma_start3A_465] : memref<4096x26x128xf32, #tpu.memory_space<hbm>> -> memref<1x26x128xf32, #tpu.memory_space<hbm>>
      %dma_start3A_467 = tpu.memref_squeeze %dma_start3A_466 : memref<1x26x128xf32, #tpu.memory_space<hbm>> -> memref<26x128xf32, #tpu.memory_space<hbm>>
      %dma_start3A_468 = arith.constant 0 : i32
      %dma_start3A_469 = arith.constant 0 : i32
      %dma_start3A_470 = tpu.memref_slice %arg6[%dma_start3A_449, %dma_start3A_468, %dma_start3A_469] : memref<4x104x128xf32, #tpu.memory_space<vmem>> -> memref<1x104x128xf32, #tpu.memory_space<vmem>>
      %dma_start3A_471 = tpu.memref_squeeze %dma_start3A_470 : memref<1x104x128xf32, #tpu.memory_space<vmem>> -> memref<104x128xf32, #tpu.memory_space<vmem>>
      %dma_start3A_472 = arith.constant 0 : i32
      %dma_start3A_473 = arith.constant 0 : i32
      %dma_start3A_474 = tpu.memref_slice %dma_start3A_471[%dma_start3A_472, %dma_start3A_473] : memref<104x128xf32, #tpu.memory_space<vmem>> -> memref<26x128xf32, #tpu.memory_space<vmem>>
      tpu.enqueue_dma source(%dma_start3A_474 : memref<26x128xf32, #tpu.memory_space<vmem>>) target(%dma_start3A_467 : memref<26x128xf32, #tpu.memory_space<hbm>>) target_semaphore(%dma_start3A_463 : memref<!tpu.dma_semaphore, #tpu.memory_space<semaphore_mem>>)
      %mul3A_475 = arith.constant 4 : i32
      %mul3A_476 = arith.muli %add3A_443, %mul3A_475 : i32
      %add3A_477 = arith.addi %mul3A_2, %mul3A_476 : i32
      %add3A_478 = arith.constant 1 : i32
      %add3A_479 = arith.addi %add3A_477, %add3A_478 : i32
      %dma_start3A_480 = arith.constant 2 : i32
      %dma_start3A_481 = arith.constant 2 : i32
      %dma_start3A_482 = arith.constant 0 : i32
      %dma_start3A_483 = arith.constant 0 : i32
      %dma_start3A_484 = tpu.memref_slice %arg6[%dma_start3A_480, %dma_start3A_482, %dma_start3A_483] : memref<4x104x128xf32, #tpu.memory_space<vmem>> -> memref<1x104x128xf32, #tpu.memory_space<vmem>>
      %dma_start3A_485 = tpu.memref_squeeze %dma_start3A_484 : memref<1x104x128xf32, #tpu.memory_space<vmem>> -> memref<104x128xf32, #tpu.memory_space<vmem>>
      %dma_start3A_486 = arith.constant 26 : i32
      %dma_start3A_487 = arith.constant 0 : i32
      %dma_start3A_488 = tpu.memref_slice %dma_start3A_485[%dma_start3A_486, %dma_start3A_487] : memref<104x128xf32, #tpu.memory_space<vmem>> -> memref<26x128xf32, #tpu.memory_space<vmem>>
      %dma_start3A_489 = arith.constant 0 : i32
      %dma_start3A_490 = arith.constant 0 : i32
      %dma_start3A_491 = tpu.memref_slice %arg4[%add3A_479, %dma_start3A_489, %dma_start3A_490] : memref<4096x26x128xf32, #tpu.memory_space<hbm>> -> memref<1x26x128xf32, #tpu.memory_space<hbm>>
      %dma_start3A_492 = tpu.memref_squeeze %dma_start3A_491 : memref<1x26x128xf32, #tpu.memory_space<hbm>> -> memref<26x128xf32, #tpu.memory_space<hbm>>
      %dma_start3A_493 = tpu.memref_slice %arg8[%dma_start3A_481] : memref<4x!tpu.dma_semaphore, #tpu.memory_space<semaphore_mem>> -> memref<1x!tpu.dma_semaphore, #tpu.memory_space<semaphore_mem>>
      %dma_start3A_494 = tpu.memref_squeeze %dma_start3A_493 : memref<1x!tpu.dma_semaphore, #tpu.memory_space<semaphore_mem>> -> memref<!tpu.dma_semaphore, #tpu.memory_space<semaphore_mem>>
      %dma_start3A_495 = arith.constant 0 : i32
      %dma_start3A_496 = arith.constant 0 : i32
      %dma_start3A_497 = tpu.memref_slice %arg4[%add3A_479, %dma_start3A_495, %dma_start3A_496] : memref<4096x26x128xf32, #tpu.memory_space<hbm>> -> memref<1x26x128xf32, #tpu.memory_space<hbm>>
      %dma_start3A_498 = tpu.memref_squeeze %dma_start3A_497 : memref<1x26x128xf32, #tpu.memory_space<hbm>> -> memref<26x128xf32, #tpu.memory_space<hbm>>
      %dma_start3A_499 = arith.constant 0 : i32
      %dma_start3A_500 = arith.constant 0 : i32
      %dma_start3A_501 = tpu.memref_slice %arg6[%dma_start3A_480, %dma_start3A_499, %dma_start3A_500] : memref<4x104x128xf32, #tpu.memory_space<vmem>> -> memref<1x104x128xf32, #tpu.memory_space<vmem>>
      %dma_start3A_502 = tpu.memref_squeeze %dma_start3A_501 : memref<1x104x128xf32, #tpu.memory_space<vmem>> -> memref<104x128xf32, #tpu.memory_space<vmem>>
      %dma_start3A_503 = arith.constant 26 : i32
      %dma_start3A_504 = arith.constant 0 : i32
      %dma_start3A_505 = tpu.memref_slice %dma_start3A_502[%dma_start3A_503, %dma_start3A_504] : memref<104x128xf32, #tpu.memory_space<vmem>> -> memref<26x128xf32, #tpu.memory_space<vmem>>
      tpu.enqueue_dma source(%dma_start3A_505 : memref<26x128xf32, #tpu.memory_space<vmem>>) target(%dma_start3A_498 : memref<26x128xf32, #tpu.memory_space<hbm>>) target_semaphore(%dma_start3A_494 : memref<!tpu.dma_semaphore, #tpu.memory_space<semaphore_mem>>)
      %mul3A_506 = arith.constant 4 : i32
      %mul3A_507 = arith.muli %add3A_443, %mul3A_506 : i32
      %add3A_508 = arith.addi %mul3A_2, %mul3A_507 : i32
      %add3A_509 = arith.constant 2 : i32
      %add3A_510 = arith.addi %add3A_508, %add3A_509 : i32
      %dma_start3A_511 = arith.constant 2 : i32
      %dma_start3A_512 = arith.constant 2 : i32
      %dma_start3A_513 = arith.constant 0 : i32
      %dma_start3A_514 = arith.constant 0 : i32
      %dma_start3A_515 = tpu.memref_slice %arg6[%dma_start3A_511, %dma_start3A_513, %dma_start3A_514] : memref<4x104x128xf32, #tpu.memory_space<vmem>> -> memref<1x104x128xf32, #tpu.memory_space<vmem>>
      %dma_start3A_516 = tpu.memref_squeeze %dma_start3A_515 : memref<1x104x128xf32, #tpu.memory_space<vmem>> -> memref<104x128xf32, #tpu.memory_space<vmem>>
      %dma_start3A_517 = arith.constant 52 : i32
      %dma_start3A_518 = arith.constant 0 : i32
      %dma_start3A_519 = tpu.memref_slice %dma_start3A_516[%dma_start3A_517, %dma_start3A_518] : memref<104x128xf32, #tpu.memory_space<vmem>> -> memref<26x128xf32, #tpu.memory_space<vmem>>
      %dma_start3A_520 = arith.constant 0 : i32
      %dma_start3A_521 = arith.constant 0 : i32
      %dma_start3A_522 = tpu.memref_slice %arg4[%add3A_510, %dma_start3A_520, %dma_start3A_521] : memref<4096x26x128xf32, #tpu.memory_space<hbm>> -> memref<1x26x128xf32, #tpu.memory_space<hbm>>
      %dma_start3A_523 = tpu.memref_squeeze %dma_start3A_522 : memref<1x26x128xf32, #tpu.memory_space<hbm>> -> memref<26x128xf32, #tpu.memory_space<hbm>>
      %dma_start3A_524 = tpu.memref_slice %arg8[%dma_start3A_512] : memref<4x!tpu.dma_semaphore, #tpu.memory_space<semaphore_mem>> -> memref<1x!tpu.dma_semaphore, #tpu.memory_space<semaphore_mem>>
      %dma_start3A_525 = tpu.memref_squeeze %dma_start3A_524 : memref<1x!tpu.dma_semaphore, #tpu.memory_space<semaphore_mem>> -> memref<!tpu.dma_semaphore, #tpu.memory_space<semaphore_mem>>
      %dma_start3A_526 = arith.constant 0 : i32
      %dma_start3A_527 = arith.constant 0 : i32
      %dma_start3A_528 = tpu.memref_slice %arg4[%add3A_510, %dma_start3A_526, %dma_start3A_527] : memref<4096x26x128xf32, #tpu.memory_space<hbm>> -> memref<1x26x128xf32, #tpu.memory_space<hbm>>
      %dma_start3A_529 = tpu.memref_squeeze %dma_start3A_528 : memref<1x26x128xf32, #tpu.memory_space<hbm>> -> memref<26x128xf32, #tpu.memory_space<hbm>>
      %dma_start3A_530 = arith.constant 0 : i32
      %dma_start3A_531 = arith.constant 0 : i32
      %dma_start3A_532 = tpu.memref_slice %arg6[%dma_start3A_511, %dma_start3A_530, %dma_start3A_531] : memref<4x104x128xf32, #tpu.memory_space<vmem>> -> memref<1x104x128xf32, #tpu.memory_space<vmem>>
      %dma_start3A_533 = tpu.memref_squeeze %dma_start3A_532 : memref<1x104x128xf32, #tpu.memory_space<vmem>> -> memref<104x128xf32, #tpu.memory_space<vmem>>
      %dma_start3A_534 = arith.constant 52 : i32
      %dma_start3A_535 = arith.constant 0 : i32
      %dma_start3A_536 = tpu.memref_slice %dma_start3A_533[%dma_start3A_534, %dma_start3A_535] : memref<104x128xf32, #tpu.memory_space<vmem>> -> memref<26x128xf32, #tpu.memory_space<vmem>>
      tpu.enqueue_dma source(%dma_start3A_536 : memref<26x128xf32, #tpu.memory_space<vmem>>) target(%dma_start3A_529 : memref<26x128xf32, #tpu.memory_space<hbm>>) target_semaphore(%dma_start3A_525 : memref<!tpu.dma_semaphore, #tpu.memory_space<semaphore_mem>>)
      %mul3A_537 = arith.constant 4 : i32
      %mul3A_538 = arith.muli %add3A_443, %mul3A_537 : i32
      %add3A_539 = arith.addi %mul3A_2, %mul3A_538 : i32
      %add3A_540 = arith.constant 3 : i32
      %add3A_541 = arith.addi %add3A_539, %add3A_540 : i32
      %dma_start3A_542 = arith.constant 2 : i32
      %dma_start3A_543 = arith.constant 2 : i32
      %dma_start3A_544 = arith.constant 0 : i32
      %dma_start3A_545 = arith.constant 0 : i32
      %dma_start3A_546 = tpu.memref_slice %arg6[%dma_start3A_542, %dma_start3A_544, %dma_start3A_545] : memref<4x104x128xf32, #tpu.memory_space<vmem>> -> memref<1x104x128xf32, #tpu.memory_space<vmem>>
      %dma_start3A_547 = tpu.memref_squeeze %dma_start3A_546 : memref<1x104x128xf32, #tpu.memory_space<vmem>> -> memref<104x128xf32, #tpu.memory_space<vmem>>
      %dma_start3A_548 = arith.constant 78 : i32
      %dma_start3A_549 = arith.constant 0 : i32
      %dma_start3A_550 = tpu.memref_slice %dma_start3A_547[%dma_start3A_548, %dma_start3A_549] : memref<104x128xf32, #tpu.memory_space<vmem>> -> memref<26x128xf32, #tpu.memory_space<vmem>>
      %dma_start3A_551 = arith.constant 0 : i32
      %dma_start3A_552 = arith.constant 0 : i32
      %dma_start3A_553 = tpu.memref_slice %arg4[%add3A_541, %dma_start3A_551, %dma_start3A_552] : memref<4096x26x128xf32, #tpu.memory_space<hbm>> -> memref<1x26x128xf32, #tpu.memory_space<hbm>>
      %dma_start3A_554 = tpu.memref_squeeze %dma_start3A_553 : memref<1x26x128xf32, #tpu.memory_space<hbm>> -> memref<26x128xf32, #tpu.memory_space<hbm>>
      %dma_start3A_555 = tpu.memref_slice %arg8[%dma_start3A_543] : memref<4x!tpu.dma_semaphore, #tpu.memory_space<semaphore_mem>> -> memref<1x!tpu.dma_semaphore, #tpu.memory_space<semaphore_mem>>
      %dma_start3A_556 = tpu.memref_squeeze %dma_start3A_555 : memref<1x!tpu.dma_semaphore, #tpu.memory_space<semaphore_mem>> -> memref<!tpu.dma_semaphore, #tpu.memory_space<semaphore_mem>>
      %dma_start3A_557 = arith.constant 0 : i32
      %dma_start3A_558 = arith.constant 0 : i32
      %dma_start3A_559 = tpu.memref_slice %arg4[%add3A_541, %dma_start3A_557, %dma_start3A_558] : memref<4096x26x128xf32, #tpu.memory_space<hbm>> -> memref<1x26x128xf32, #tpu.memory_space<hbm>>
      %dma_start3A_560 = tpu.memref_squeeze %dma_start3A_559 : memref<1x26x128xf32, #tpu.memory_space<hbm>> -> memref<26x128xf32, #tpu.memory_space<hbm>>
      %dma_start3A_561 = arith.constant 0 : i32
      %dma_start3A_562 = arith.constant 0 : i32
      %dma_start3A_563 = tpu.memref_slice %arg6[%dma_start3A_542, %dma_start3A_561, %dma_start3A_562] : memref<4x104x128xf32, #tpu.memory_space<vmem>> -> memref<1x104x128xf32, #tpu.memory_space<vmem>>
      %dma_start3A_564 = tpu.memref_squeeze %dma_start3A_563 : memref<1x104x128xf32, #tpu.memory_space<vmem>> -> memref<104x128xf32, #tpu.memory_space<vmem>>
      %dma_start3A_565 = arith.constant 78 : i32
      %dma_start3A_566 = arith.constant 0 : i32
      %dma_start3A_567 = tpu.memref_slice %dma_start3A_564[%dma_start3A_565, %dma_start3A_566] : memref<104x128xf32, #tpu.memory_space<vmem>> -> memref<26x128xf32, #tpu.memory_space<vmem>>
      tpu.enqueue_dma source(%dma_start3A_567 : memref<26x128xf32, #tpu.memory_space<vmem>>) target(%dma_start3A_560 : memref<26x128xf32, #tpu.memory_space<hbm>>) target_semaphore(%dma_start3A_556 : memref<!tpu.dma_semaphore, #tpu.memory_space<semaphore_mem>>)
      %dma_wait3A_568 = arith.constant 3 : i32
      %dma_wait3A_569 = arith.constant 3 : i32
      %dma_wait3A_570 = arith.constant 0 : i32
      %dma_wait3A_571 = arith.constant 0 : i32
      %dma_wait3A_572 = tpu.memref_slice %arg6[%dma_wait3A_568, %dma_wait3A_570, %dma_wait3A_571] : memref<4x104x128xf32, #tpu.memory_space<vmem>> -> memref<1x104x128xf32, #tpu.memory_space<vmem>>
      %dma_wait3A_573 = tpu.memref_squeeze %dma_wait3A_572 : memref<1x104x128xf32, #tpu.memory_space<vmem>> -> memref<104x128xf32, #tpu.memory_space<vmem>>
      %dma_wait3A_574 = arith.constant 0 : i32
      %dma_wait3A_575 = arith.constant 0 : i32
      %dma_wait3A_576 = tpu.memref_slice %arg2[%dma_wait3A_574, %dma_wait3A_575] : memref<100000x128xf32, #tpu.memory_space<hbm>> -> memref<104x128xf32, #tpu.memory_space<hbm>>
      %dma_wait3A_577 = tpu.memref_slice %arg7[%dma_wait3A_569] : memref<4x!tpu.dma_semaphore, #tpu.memory_space<semaphore_mem>> -> memref<1x!tpu.dma_semaphore, #tpu.memory_space<semaphore_mem>>
      %dma_wait3A_578 = tpu.memref_squeeze %dma_wait3A_577 : memref<1x!tpu.dma_semaphore, #tpu.memory_space<semaphore_mem>> -> memref<!tpu.dma_semaphore, #tpu.memory_space<semaphore_mem>>
      %dma_wait3A_579 = arith.constant 0 : i32
      %dma_wait3A_580 = arith.constant 0 : i32
      %dma_wait3A_581 = tpu.memref_slice %arg6[%dma_wait3A_568, %dma_wait3A_579, %dma_wait3A_580] : memref<4x104x128xf32, #tpu.memory_space<vmem>> -> memref<1x104x128xf32, #tpu.memory_space<vmem>>
      %dma_wait3A_582 = tpu.memref_squeeze %dma_wait3A_581 : memref<1x104x128xf32, #tpu.memory_space<vmem>> -> memref<104x128xf32, #tpu.memory_space<vmem>>
      %dma_wait3A_583 = arith.constant 0 : i32
      %dma_wait3A_584 = arith.constant 0 : i32
      %dma_wait3A_585 = tpu.memref_slice %arg2[%dma_wait3A_583, %dma_wait3A_584] : memref<100000x128xf32, #tpu.memory_space<hbm>> -> memref<104x128xf32, #tpu.memory_space<hbm>>
      tpu.wait_dma2 semaphore(%dma_wait3A_578 : memref<!tpu.dma_semaphore, #tpu.memory_space<semaphore_mem>>) src(%dma_wait3A_585 : memref<104x128xf32, #tpu.memory_space<hbm>>) dst(%dma_wait3A_582 : memref<104x128xf32, #tpu.memory_space<vmem>>)
      %add3A_586 = arith.constant 3 : i32
      %add3A_587 = arith.addi %add3A_135, %add3A_586 : i32
      %mul3A_588 = arith.constant 4 : i32
      %mul3A_589 = arith.muli %add3A_587, %mul3A_588 : i32
      %add3A_590 = arith.addi %mul3A_2, %mul3A_589 : i32
      %add3A_591 = arith.constant 0 : i32
      %add3A_592 = arith.addi %add3A_590, %add3A_591 : i32
      %dma_start3A_593 = arith.constant 3 : i32
      %dma_start3A_594 = arith.constant 3 : i32
      %dma_start3A_595 = arith.constant 0 : i32
      %dma_start3A_596 = arith.constant 0 : i32
      %dma_start3A_597 = tpu.memref_slice %arg6[%dma_start3A_593, %dma_start3A_595, %dma_start3A_596] : memref<4x104x128xf32, #tpu.memory_space<vmem>> -> memref<1x104x128xf32, #tpu.memory_space<vmem>>
      %dma_start3A_598 = tpu.memref_squeeze %dma_start3A_597 : memref<1x104x128xf32, #tpu.memory_space<vmem>> -> memref<104x128xf32, #tpu.memory_space<vmem>>
      %dma_start3A_599 = arith.constant 0 : i32
      %dma_start3A_600 = arith.constant 0 : i32
      %dma_start3A_601 = tpu.memref_slice %dma_start3A_598[%dma_start3A_599, %dma_start3A_600] : memref<104x128xf32, #tpu.memory_space<vmem>> -> memref<26x128xf32, #tpu.memory_space<vmem>>
      %dma_start3A_602 = arith.constant 0 : i32
      %dma_start3A_603 = arith.constant 0 : i32
      %dma_start3A_604 = tpu.memref_slice %arg4[%add3A_592, %dma_start3A_602, %dma_start3A_603] : memref<4096x26x128xf32, #tpu.memory_space<hbm>> -> memref<1x26x128xf32, #tpu.memory_space<hbm>>
      %dma_start3A_605 = tpu.memref_squeeze %dma_start3A_604 : memref<1x26x128xf32, #tpu.memory_space<hbm>> -> memref<26x128xf32, #tpu.memory_space<hbm>>
      %dma_start3A_606 = tpu.memref_slice %arg8[%dma_start3A_594] : memref<4x!tpu.dma_semaphore, #tpu.memory_space<semaphore_mem>> -> memref<1x!tpu.dma_semaphore, #tpu.memory_space<semaphore_mem>>
      %dma_start3A_607 = tpu.memref_squeeze %dma_start3A_606 : memref<1x!tpu.dma_semaphore, #tpu.memory_space<semaphore_mem>> -> memref<!tpu.dma_semaphore, #tpu.memory_space<semaphore_mem>>
      %dma_start3A_608 = arith.constant 0 : i32
      %dma_start3A_609 = arith.constant 0 : i32
      %dma_start3A_610 = tpu.memref_slice %arg4[%add3A_592, %dma_start3A_608, %dma_start3A_609] : memref<4096x26x128xf32, #tpu.memory_space<hbm>> -> memref<1x26x128xf32, #tpu.memory_space<hbm>>
      %dma_start3A_611 = tpu.memref_squeeze %dma_start3A_610 : memref<1x26x128xf32, #tpu.memory_space<hbm>> -> memref<26x128xf32, #tpu.memory_space<hbm>>
      %dma_start3A_612 = arith.constant 0 : i32
      %dma_start3A_613 = arith.constant 0 : i32
      %dma_start3A_614 = tpu.memref_slice %arg6[%dma_start3A_593, %dma_start3A_612, %dma_start3A_613] : memref<4x104x128xf32, #tpu.memory_space<vmem>> -> memref<1x104x128xf32, #tpu.memory_space<vmem>>
      %dma_start3A_615 = tpu.memref_squeeze %dma_start3A_614 : memref<1x104x128xf32, #tpu.memory_space<vmem>> -> memref<104x128xf32, #tpu.memory_space<vmem>>
      %dma_start3A_616 = arith.constant 0 : i32
      %dma_start3A_617 = arith.constant 0 : i32
      %dma_start3A_618 = tpu.memref_slice %dma_start3A_615[%dma_start3A_616, %dma_start3A_617] : memref<104x128xf32, #tpu.memory_space<vmem>> -> memref<26x128xf32, #tpu.memory_space<vmem>>
      tpu.enqueue_dma source(%dma_start3A_618 : memref<26x128xf32, #tpu.memory_space<vmem>>) target(%dma_start3A_611 : memref<26x128xf32, #tpu.memory_space<hbm>>) target_semaphore(%dma_start3A_607 : memref<!tpu.dma_semaphore, #tpu.memory_space<semaphore_mem>>)
      %mul3A_619 = arith.constant 4 : i32
      %mul3A_620 = arith.muli %add3A_587, %mul3A_619 : i32
      %add3A_621 = arith.addi %mul3A_2, %mul3A_620 : i32
      %add3A_622 = arith.constant 1 : i32
      %add3A_623 = arith.addi %add3A_621, %add3A_622 : i32
      %dma_start3A_624 = arith.constant 3 : i32
      %dma_start3A_625 = arith.constant 3 : i32
      %dma_start3A_626 = arith.constant 0 : i32
      %dma_start3A_627 = arith.constant 0 : i32
      %dma_start3A_628 = tpu.memref_slice %arg6[%dma_start3A_624, %dma_start3A_626, %dma_start3A_627] : memref<4x104x128xf32, #tpu.memory_space<vmem>> -> memref<1x104x128xf32, #tpu.memory_space<vmem>>
      %dma_start3A_629 = tpu.memref_squeeze %dma_start3A_628 : memref<1x104x128xf32, #tpu.memory_space<vmem>> -> memref<104x128xf32, #tpu.memory_space<vmem>>
      %dma_start3A_630 = arith.constant 26 : i32
      %dma_start3A_631 = arith.constant 0 : i32
      %dma_start3A_632 = tpu.memref_slice %dma_start3A_629[%dma_start3A_630, %dma_start3A_631] : memref<104x128xf32, #tpu.memory_space<vmem>> -> memref<26x128xf32, #tpu.memory_space<vmem>>
      %dma_start3A_633 = arith.constant 0 : i32
      %dma_start3A_634 = arith.constant 0 : i32
      %dma_start3A_635 = tpu.memref_slice %arg4[%add3A_623, %dma_start3A_633, %dma_start3A_634] : memref<4096x26x128xf32, #tpu.memory_space<hbm>> -> memref<1x26x128xf32, #tpu.memory_space<hbm>>
      %dma_start3A_636 = tpu.memref_squeeze %dma_start3A_635 : memref<1x26x128xf32, #tpu.memory_space<hbm>> -> memref<26x128xf32, #tpu.memory_space<hbm>>
      %dma_start3A_637 = tpu.memref_slice %arg8[%dma_start3A_625] : memref<4x!tpu.dma_semaphore, #tpu.memory_space<semaphore_mem>> -> memref<1x!tpu.dma_semaphore, #tpu.memory_space<semaphore_mem>>
      %dma_start3A_638 = tpu.memref_squeeze %dma_start3A_637 : memref<1x!tpu.dma_semaphore, #tpu.memory_space<semaphore_mem>> -> memref<!tpu.dma_semaphore, #tpu.memory_space<semaphore_mem>>
      %dma_start3A_639 = arith.constant 0 : i32
      %dma_start3A_640 = arith.constant 0 : i32
      %dma_start3A_641 = tpu.memref_slice %arg4[%add3A_623, %dma_start3A_639, %dma_start3A_640] : memref<4096x26x128xf32, #tpu.memory_space<hbm>> -> memref<1x26x128xf32, #tpu.memory_space<hbm>>
      %dma_start3A_642 = tpu.memref_squeeze %dma_start3A_641 : memref<1x26x128xf32, #tpu.memory_space<hbm>> -> memref<26x128xf32, #tpu.memory_space<hbm>>
      %dma_start3A_643 = arith.constant 0 : i32
      %dma_start3A_644 = arith.constant 0 : i32
      %dma_start3A_645 = tpu.memref_slice %arg6[%dma_start3A_624, %dma_start3A_643, %dma_start3A_644] : memref<4x104x128xf32, #tpu.memory_space<vmem>> -> memref<1x104x128xf32, #tpu.memory_space<vmem>>
      %dma_start3A_646 = tpu.memref_squeeze %dma_start3A_645 : memref<1x104x128xf32, #tpu.memory_space<vmem>> -> memref<104x128xf32, #tpu.memory_space<vmem>>
      %dma_start3A_647 = arith.constant 26 : i32
      %dma_start3A_648 = arith.constant 0 : i32
      %dma_start3A_649 = tpu.memref_slice %dma_start3A_646[%dma_start3A_647, %dma_start3A_648] : memref<104x128xf32, #tpu.memory_space<vmem>> -> memref<26x128xf32, #tpu.memory_space<vmem>>
      tpu.enqueue_dma source(%dma_start3A_649 : memref<26x128xf32, #tpu.memory_space<vmem>>) target(%dma_start3A_642 : memref<26x128xf32, #tpu.memory_space<hbm>>) target_semaphore(%dma_start3A_638 : memref<!tpu.dma_semaphore, #tpu.memory_space<semaphore_mem>>)
      %mul3A_650 = arith.constant 4 : i32
      %mul3A_651 = arith.muli %add3A_587, %mul3A_650 : i32
      %add3A_652 = arith.addi %mul3A_2, %mul3A_651 : i32
      %add3A_653 = arith.constant 2 : i32
      %add3A_654 = arith.addi %add3A_652, %add3A_653 : i32
      %dma_start3A_655 = arith.constant 3 : i32
      %dma_start3A_656 = arith.constant 3 : i32
      %dma_start3A_657 = arith.constant 0 : i32
      %dma_start3A_658 = arith.constant 0 : i32
      %dma_start3A_659 = tpu.memref_slice %arg6[%dma_start3A_655, %dma_start3A_657, %dma_start3A_658] : memref<4x104x128xf32, #tpu.memory_space<vmem>> -> memref<1x104x128xf32, #tpu.memory_space<vmem>>
      %dma_start3A_660 = tpu.memref_squeeze %dma_start3A_659 : memref<1x104x128xf32, #tpu.memory_space<vmem>> -> memref<104x128xf32, #tpu.memory_space<vmem>>
      %dma_start3A_661 = arith.constant 52 : i32
      %dma_start3A_662 = arith.constant 0 : i32
      %dma_start3A_663 = tpu.memref_slice %dma_start3A_660[%dma_start3A_661, %dma_start3A_662] : memref<104x128xf32, #tpu.memory_space<vmem>> -> memref<26x128xf32, #tpu.memory_space<vmem>>
      %dma_start3A_664 = arith.constant 0 : i32
      %dma_start3A_665 = arith.constant 0 : i32
      %dma_start3A_666 = tpu.memref_slice %arg4[%add3A_654, %dma_start3A_664, %dma_start3A_665] : memref<4096x26x128xf32, #tpu.memory_space<hbm>> -> memref<1x26x128xf32, #tpu.memory_space<hbm>>
      %dma_start3A_667 = tpu.memref_squeeze %dma_start3A_666 : memref<1x26x128xf32, #tpu.memory_space<hbm>> -> memref<26x128xf32, #tpu.memory_space<hbm>>
      %dma_start3A_668 = tpu.memref_slice %arg8[%dma_start3A_656] : memref<4x!tpu.dma_semaphore, #tpu.memory_space<semaphore_mem>> -> memref<1x!tpu.dma_semaphore, #tpu.memory_space<semaphore_mem>>
      %dma_start3A_669 = tpu.memref_squeeze %dma_start3A_668 : memref<1x!tpu.dma_semaphore, #tpu.memory_space<semaphore_mem>> -> memref<!tpu.dma_semaphore, #tpu.memory_space<semaphore_mem>>
      %dma_start3A_670 = arith.constant 0 : i32
      %dma_start3A_671 = arith.constant 0 : i32
      %dma_start3A_672 = tpu.memref_slice %arg4[%add3A_654, %dma_start3A_670, %dma_start3A_671] : memref<4096x26x128xf32, #tpu.memory_space<hbm>> -> memref<1x26x128xf32, #tpu.memory_space<hbm>>
      %dma_start3A_673 = tpu.memref_squeeze %dma_start3A_672 : memref<1x26x128xf32, #tpu.memory_space<hbm>> -> memref<26x128xf32, #tpu.memory_space<hbm>>
      %dma_start3A_674 = arith.constant 0 : i32
      %dma_start3A_675 = arith.constant 0 : i32
      %dma_start3A_676 = tpu.memref_slice %arg6[%dma_start3A_655, %dma_start3A_674, %dma_start3A_675] : memref<4x104x128xf32, #tpu.memory_space<vmem>> -> memref<1x104x128xf32, #tpu.memory_space<vmem>>
      %dma_start3A_677 = tpu.memref_squeeze %dma_start3A_676 : memref<1x104x128xf32, #tpu.memory_space<vmem>> -> memref<104x128xf32, #tpu.memory_space<vmem>>
      %dma_start3A_678 = arith.constant 52 : i32
      %dma_start3A_679 = arith.constant 0 : i32
      %dma_start3A_680 = tpu.memref_slice %dma_start3A_677[%dma_start3A_678, %dma_start3A_679] : memref<104x128xf32, #tpu.memory_space<vmem>> -> memref<26x128xf32, #tpu.memory_space<vmem>>
      tpu.enqueue_dma source(%dma_start3A_680 : memref<26x128xf32, #tpu.memory_space<vmem>>) target(%dma_start3A_673 : memref<26x128xf32, #tpu.memory_space<hbm>>) target_semaphore(%dma_start3A_669 : memref<!tpu.dma_semaphore, #tpu.memory_space<semaphore_mem>>)
      %mul3A_681 = arith.constant 4 : i32
      %mul3A_682 = arith.muli %add3A_587, %mul3A_681 : i32
      %add3A_683 = arith.addi %mul3A_2, %mul3A_682 : i32
      %add3A_684 = arith.constant 3 : i32
      %add3A_685 = arith.addi %add3A_683, %add3A_684 : i32
      %dma_start3A_686 = arith.constant 3 : i32
      %dma_start3A_687 = arith.constant 3 : i32
      %dma_start3A_688 = arith.constant 0 : i32
      %dma_start3A_689 = arith.constant 0 : i32
      %dma_start3A_690 = tpu.memref_slice %arg6[%dma_start3A_686, %dma_start3A_688, %dma_start3A_689] : memref<4x104x128xf32, #tpu.memory_space<vmem>> -> memref<1x104x128xf32, #tpu.memory_space<vmem>>
      %dma_start3A_691 = tpu.memref_squeeze %dma_start3A_690 : memref<1x104x128xf32, #tpu.memory_space<vmem>> -> memref<104x128xf32, #tpu.memory_space<vmem>>
      %dma_start3A_692 = arith.constant 78 : i32
      %dma_start3A_693 = arith.constant 0 : i32
      %dma_start3A_694 = tpu.memref_slice %dma_start3A_691[%dma_start3A_692, %dma_start3A_693] : memref<104x128xf32, #tpu.memory_space<vmem>> -> memref<26x128xf32, #tpu.memory_space<vmem>>
      %dma_start3A_695 = arith.constant 0 : i32
      %dma_start3A_696 = arith.constant 0 : i32
      %dma_start3A_697 = tpu.memref_slice %arg4[%add3A_685, %dma_start3A_695, %dma_start3A_696] : memref<4096x26x128xf32, #tpu.memory_space<hbm>> -> memref<1x26x128xf32, #tpu.memory_space<hbm>>
      %dma_start3A_698 = tpu.memref_squeeze %dma_start3A_697 : memref<1x26x128xf32, #tpu.memory_space<hbm>> -> memref<26x128xf32, #tpu.memory_space<hbm>>
      %dma_start3A_699 = tpu.memref_slice %arg8[%dma_start3A_687] : memref<4x!tpu.dma_semaphore, #tpu.memory_space<semaphore_mem>> -> memref<1x!tpu.dma_semaphore, #tpu.memory_space<semaphore_mem>>
      %dma_start3A_700 = tpu.memref_squeeze %dma_start3A_699 : memref<1x!tpu.dma_semaphore, #tpu.memory_space<semaphore_mem>> -> memref<!tpu.dma_semaphore, #tpu.memory_space<semaphore_mem>>
      %dma_start3A_701 = arith.constant 0 : i32
      %dma_start3A_702 = arith.constant 0 : i32
      %dma_start3A_703 = tpu.memref_slice %arg4[%add3A_685, %dma_start3A_701, %dma_start3A_702] : memref<4096x26x128xf32, #tpu.memory_space<hbm>> -> memref<1x26x128xf32, #tpu.memory_space<hbm>>
      %dma_start3A_704 = tpu.memref_squeeze %dma_start3A_703 : memref<1x26x128xf32, #tpu.memory_space<hbm>> -> memref<26x128xf32, #tpu.memory_space<hbm>>
      %dma_start3A_705 = arith.constant 0 : i32
      %dma_start3A_706 = arith.constant 0 : i32
      %dma_start3A_707 = tpu.memref_slice %arg6[%dma_start3A_686, %dma_start3A_705, %dma_start3A_706] : memref<4x104x128xf32, #tpu.memory_space<vmem>> -> memref<1x104x128xf32, #tpu.memory_space<vmem>>
      %dma_start3A_708 = tpu.memref_squeeze %dma_start3A_707 : memref<1x104x128xf32, #tpu.memory_space<vmem>> -> memref<104x128xf32, #tpu.memory_space<vmem>>
      %dma_start3A_709 = arith.constant 78 : i32
      %dma_start3A_710 = arith.constant 0 : i32
      %dma_start3A_711 = tpu.memref_slice %dma_start3A_708[%dma_start3A_709, %dma_start3A_710] : memref<104x128xf32, #tpu.memory_space<vmem>> -> memref<26x128xf32, #tpu.memory_space<vmem>>
      tpu.enqueue_dma source(%dma_start3A_711 : memref<26x128xf32, #tpu.memory_space<vmem>>) target(%dma_start3A_704 : memref<26x128xf32, #tpu.memory_space<hbm>>) target_semaphore(%dma_start3A_700 : memref<!tpu.dma_semaphore, #tpu.memory_space<semaphore_mem>>)
      %add3A_712 = arith.constant 0 : i32
      %add3A_713 = arith.addi %add3A_135, %add3A_712 : i32
      %add3A_714 = arith.constant 4 : i32
      %add3A_715 = arith.addi %add3A_713, %add3A_714 : i32
      %lt3A = arith.constant 32 : i32
      %lt3A_716 = arith.cmpi slt, %add3A_715, %lt3A : i32
      %convert_element_type3A = arith.extui %lt3A_716 : i1 to i32
      %cond3A = arith.constant 0 : i32
      %cond3A_717 = arith.cmpi ne, %convert_element_type3A, %cond3A : i32
      scf.if %cond3A_717 {
        %dma_wait3A_745 = arith.constant 0 : i32
        %dma_wait3A_746 = arith.constant 0 : i32
        %dma_wait3A_747 = arith.constant 0 : i32
        %dma_wait3A_748 = arith.constant 0 : i32
        %dma_wait3A_749 = tpu.memref_slice %arg6[%dma_wait3A_745, %dma_wait3A_747, %dma_wait3A_748] : memref<4x104x128xf32, #tpu.memory_space<vmem>> -> memref<1x104x128xf32, #tpu.memory_space<vmem>>
        %dma_wait3A_750 = tpu.memref_squeeze %dma_wait3A_749 : memref<1x104x128xf32, #tpu.memory_space<vmem>> -> memref<104x128xf32, #tpu.memory_space<vmem>>
        %dma_wait3A_751 = arith.constant 0 : i32
        %dma_wait3A_752 = arith.constant 0 : i32
        %dma_wait3A_753 = tpu.memref_slice %arg2[%dma_wait3A_751, %dma_wait3A_752] : memref<100000x128xf32, #tpu.memory_space<hbm>> -> memref<104x128xf32, #tpu.memory_space<hbm>>
        %dma_wait3A_754 = tpu.memref_slice %arg8[%dma_wait3A_746] : memref<4x!tpu.dma_semaphore, #tpu.memory_space<semaphore_mem>> -> memref<1x!tpu.dma_semaphore, #tpu.memory_space<semaphore_mem>>
        %dma_wait3A_755 = tpu.memref_squeeze %dma_wait3A_754 : memref<1x!tpu.dma_semaphore, #tpu.memory_space<semaphore_mem>> -> memref<!tpu.dma_semaphore, #tpu.memory_space<semaphore_mem>>
        %dma_wait3A_756 = arith.constant 0 : i32
        %dma_wait3A_757 = arith.constant 0 : i32
        %dma_wait3A_758 = tpu.memref_slice %arg2[%dma_wait3A_756, %dma_wait3A_757] : memref<100000x128xf32, #tpu.memory_space<hbm>> -> memref<104x128xf32, #tpu.memory_space<hbm>>
        %dma_wait3A_759 = arith.constant 0 : i32
        %dma_wait3A_760 = arith.constant 0 : i32
        %dma_wait3A_761 = tpu.memref_slice %arg6[%dma_wait3A_745, %dma_wait3A_759, %dma_wait3A_760] : memref<4x104x128xf32, #tpu.memory_space<vmem>> -> memref<1x104x128xf32, #tpu.memory_space<vmem>>
        %dma_wait3A_762 = tpu.memref_squeeze %dma_wait3A_761 : memref<1x104x128xf32, #tpu.memory_space<vmem>> -> memref<104x128xf32, #tpu.memory_space<vmem>>
        tpu.wait_dma2 semaphore(%dma_wait3A_755 : memref<!tpu.dma_semaphore, #tpu.memory_space<semaphore_mem>>) src(%dma_wait3A_762 : memref<104x128xf32, #tpu.memory_space<vmem>>) dst(%dma_wait3A_758 : memref<104x128xf32, #tpu.memory_space<hbm>>)
        %mul3A_763 = arith.constant 104 : i32
        %mul3A_764 = arith.muli %add3A_715, %mul3A_763 : i32
        %dma_start3A_765 = arith.constant 0 : i32
        %dma_start3A_766 = arith.constant 0 : i32
        %dma_start3A_767 = arith.constant 0 : i32
        %dma_start3A_768 = arith.constant 0 : i32
        %dma_start3A_769 = tpu.memref_slice %arg6[%dma_start3A_765, %dma_start3A_767, %dma_start3A_768] : memref<4x104x128xf32, #tpu.memory_space<vmem>> -> memref<1x104x128xf32, #tpu.memory_space<vmem>>
        %dma_start3A_770 = tpu.memref_squeeze %dma_start3A_769 : memref<1x104x128xf32, #tpu.memory_space<vmem>> -> memref<104x128xf32, #tpu.memory_space<vmem>>
        %dma_start3A_771 = tpu.memref_slice %arg5[%mul3A_764] : memref<3328xi32, #tpu.memory_space<vmem>> -> memref<104xi32, #tpu.memory_space<vmem>>
        %dma_start3A_772 = arith.constant 0 : i32
        %dma_start3A_773 = arith.constant 0 : i32
        %dma_start3A_774 = tpu.memref_slice %arg2[%dma_start3A_772, %dma_start3A_773] : memref<100000x128xf32, #tpu.memory_space<hbm>> -> memref<100000x128xf32, #tpu.memory_space<hbm>>
        %dma_start3A_775 = tpu.memref_slice %arg7[%dma_start3A_766] : memref<4x!tpu.dma_semaphore, #tpu.memory_space<semaphore_mem>> -> memref<1x!tpu.dma_semaphore, #tpu.memory_space<semaphore_mem>>
        %dma_start3A_776 = tpu.memref_squeeze %dma_start3A_775 : memref<1x!tpu.dma_semaphore, #tpu.memory_space<semaphore_mem>> -> memref<!tpu.dma_semaphore, #tpu.memory_space<semaphore_mem>>
        tpu.enqueue_indirect_dma source(%dma_start3A_774 : memref<100000x128xf32, #tpu.memory_space<hbm>>) target(%dma_start3A_770 : memref<104x128xf32, #tpu.memory_space<vmem>>) offsets(%dma_start3A_771 : memref<104xi32, #tpu.memory_space<vmem>>) semaphore(%dma_start3A_776 : memref<!tpu.dma_semaphore, #tpu.memory_space<semaphore_mem>>)
      } else {
      }
      %add3A_718 = arith.constant 1 : i32
      %add3A_719 = arith.addi %add3A_135, %add3A_718 : i32
      %add3A_720 = arith.constant 4 : i32
      %add3A_721 = arith.addi %add3A_719, %add3A_720 : i32
      %lt3A_722 = arith.constant 32 : i32
      %lt3A_723 = arith.cmpi slt, %add3A_721, %lt3A_722 : i32
      %convert_element_type3A_724 = arith.extui %lt3A_723 : i1 to i32
      %cond3A_725 = arith.constant 0 : i32
      %cond3A_726 = arith.cmpi ne, %convert_element_type3A_724, %cond3A_725 : i32
      scf.if %cond3A_726 {
        %dma_wait3A_745 = arith.constant 1 : i32
        %dma_wait3A_746 = arith.constant 1 : i32
        %dma_wait3A_747 = arith.constant 0 : i32
        %dma_wait3A_748 = arith.constant 0 : i32
        %dma_wait3A_749 = tpu.memref_slice %arg6[%dma_wait3A_745, %dma_wait3A_747, %dma_wait3A_748] : memref<4x104x128xf32, #tpu.memory_space<vmem>> -> memref<1x104x128xf32, #tpu.memory_space<vmem>>
        %dma_wait3A_750 = tpu.memref_squeeze %dma_wait3A_749 : memref<1x104x128xf32, #tpu.memory_space<vmem>> -> memref<104x128xf32, #tpu.memory_space<vmem>>
        %dma_wait3A_751 = arith.constant 0 : i32
        %dma_wait3A_752 = arith.constant 0 : i32
        %dma_wait3A_753 = tpu.memref_slice %arg2[%dma_wait3A_751, %dma_wait3A_752] : memref<100000x128xf32, #tpu.memory_space<hbm>> -> memref<104x128xf32, #tpu.memory_space<hbm>>
        %dma_wait3A_754 = tpu.memref_slice %arg8[%dma_wait3A_746] : memref<4x!tpu.dma_semaphore, #tpu.memory_space<semaphore_mem>> -> memref<1x!tpu.dma_semaphore, #tpu.memory_space<semaphore_mem>>
        %dma_wait3A_755 = tpu.memref_squeeze %dma_wait3A_754 : memref<1x!tpu.dma_semaphore, #tpu.memory_space<semaphore_mem>> -> memref<!tpu.dma_semaphore, #tpu.memory_space<semaphore_mem>>
        %dma_wait3A_756 = arith.constant 0 : i32
        %dma_wait3A_757 = arith.constant 0 : i32
        %dma_wait3A_758 = tpu.memref_slice %arg2[%dma_wait3A_756, %dma_wait3A_757] : memref<100000x128xf32, #tpu.memory_space<hbm>> -> memref<104x128xf32, #tpu.memory_space<hbm>>
        %dma_wait3A_759 = arith.constant 0 : i32
        %dma_wait3A_760 = arith.constant 0 : i32
        %dma_wait3A_761 = tpu.memref_slice %arg6[%dma_wait3A_745, %dma_wait3A_759, %dma_wait3A_760] : memref<4x104x128xf32, #tpu.memory_space<vmem>> -> memref<1x104x128xf32, #tpu.memory_space<vmem>>
        %dma_wait3A_762 = tpu.memref_squeeze %dma_wait3A_761 : memref<1x104x128xf32, #tpu.memory_space<vmem>> -> memref<104x128xf32, #tpu.memory_space<vmem>>
        tpu.wait_dma2 semaphore(%dma_wait3A_755 : memref<!tpu.dma_semaphore, #tpu.memory_space<semaphore_mem>>) src(%dma_wait3A_762 : memref<104x128xf32, #tpu.memory_space<vmem>>) dst(%dma_wait3A_758 : memref<104x128xf32, #tpu.memory_space<hbm>>)
        %mul3A_763 = arith.constant 104 : i32
        %mul3A_764 = arith.muli %add3A_721, %mul3A_763 : i32
        %dma_start3A_765 = arith.constant 1 : i32
        %dma_start3A_766 = arith.constant 1 : i32
        %dma_start3A_767 = arith.constant 0 : i32
        %dma_start3A_768 = arith.constant 0 : i32
        %dma_start3A_769 = tpu.memref_slice %arg6[%dma_start3A_765, %dma_start3A_767, %dma_start3A_768] : memref<4x104x128xf32, #tpu.memory_space<vmem>> -> memref<1x104x128xf32, #tpu.memory_space<vmem>>
        %dma_start3A_770 = tpu.memref_squeeze %dma_start3A_769 : memref<1x104x128xf32, #tpu.memory_space<vmem>> -> memref<104x128xf32, #tpu.memory_space<vmem>>
        %dma_start3A_771 = tpu.memref_slice %arg5[%mul3A_764] : memref<3328xi32, #tpu.memory_space<vmem>> -> memref<104xi32, #tpu.memory_space<vmem>>
        %dma_start3A_772 = arith.constant 0 : i32
        %dma_start3A_773 = arith.constant 0 : i32
        %dma_start3A_774 = tpu.memref_slice %arg2[%dma_start3A_772, %dma_start3A_773] : memref<100000x128xf32, #tpu.memory_space<hbm>> -> memref<100000x128xf32, #tpu.memory_space<hbm>>
        %dma_start3A_775 = tpu.memref_slice %arg7[%dma_start3A_766] : memref<4x!tpu.dma_semaphore, #tpu.memory_space<semaphore_mem>> -> memref<1x!tpu.dma_semaphore, #tpu.memory_space<semaphore_mem>>
        %dma_start3A_776 = tpu.memref_squeeze %dma_start3A_775 : memref<1x!tpu.dma_semaphore, #tpu.memory_space<semaphore_mem>> -> memref<!tpu.dma_semaphore, #tpu.memory_space<semaphore_mem>>
        tpu.enqueue_indirect_dma source(%dma_start3A_774 : memref<100000x128xf32, #tpu.memory_space<hbm>>) target(%dma_start3A_770 : memref<104x128xf32, #tpu.memory_space<vmem>>) offsets(%dma_start3A_771 : memref<104xi32, #tpu.memory_space<vmem>>) semaphore(%dma_start3A_776 : memref<!tpu.dma_semaphore, #tpu.memory_space<semaphore_mem>>)
      } else {
      }
      %add3A_727 = arith.constant 2 : i32
      %add3A_728 = arith.addi %add3A_135, %add3A_727 : i32
      %add3A_729 = arith.constant 4 : i32
      %add3A_730 = arith.addi %add3A_728, %add3A_729 : i32
      %lt3A_731 = arith.constant 32 : i32
      %lt3A_732 = arith.cmpi slt, %add3A_730, %lt3A_731 : i32
      %convert_element_type3A_733 = arith.extui %lt3A_732 : i1 to i32
      %cond3A_734 = arith.constant 0 : i32
      %cond3A_735 = arith.cmpi ne, %convert_element_type3A_733, %cond3A_734 : i32
      scf.if %cond3A_735 {
        %dma_wait3A_745 = arith.constant 2 : i32
        %dma_wait3A_746 = arith.constant 2 : i32
        %dma_wait3A_747 = arith.constant 0 : i32
        %dma_wait3A_748 = arith.constant 0 : i32
        %dma_wait3A_749 = tpu.memref_slice %arg6[%dma_wait3A_745, %dma_wait3A_747, %dma_wait3A_748] : memref<4x104x128xf32, #tpu.memory_space<vmem>> -> memref<1x104x128xf32, #tpu.memory_space<vmem>>
        %dma_wait3A_750 = tpu.memref_squeeze %dma_wait3A_749 : memref<1x104x128xf32, #tpu.memory_space<vmem>> -> memref<104x128xf32, #tpu.memory_space<vmem>>
        %dma_wait3A_751 = arith.constant 0 : i32
        %dma_wait3A_752 = arith.constant 0 : i32
        %dma_wait3A_753 = tpu.memref_slice %arg2[%dma_wait3A_751, %dma_wait3A_752] : memref<100000x128xf32, #tpu.memory_space<hbm>> -> memref<104x128xf32, #tpu.memory_space<hbm>>
        %dma_wait3A_754 = tpu.memref_slice %arg8[%dma_wait3A_746] : memref<4x!tpu.dma_semaphore, #tpu.memory_space<semaphore_mem>> -> memref<1x!tpu.dma_semaphore, #tpu.memory_space<semaphore_mem>>
        %dma_wait3A_755 = tpu.memref_squeeze %dma_wait3A_754 : memref<1x!tpu.dma_semaphore, #tpu.memory_space<semaphore_mem>> -> memref<!tpu.dma_semaphore, #tpu.memory_space<semaphore_mem>>
        %dma_wait3A_756 = arith.constant 0 : i32
        %dma_wait3A_757 = arith.constant 0 : i32
        %dma_wait3A_758 = tpu.memref_slice %arg2[%dma_wait3A_756, %dma_wait3A_757] : memref<100000x128xf32, #tpu.memory_space<hbm>> -> memref<104x128xf32, #tpu.memory_space<hbm>>
        %dma_wait3A_759 = arith.constant 0 : i32
        %dma_wait3A_760 = arith.constant 0 : i32
        %dma_wait3A_761 = tpu.memref_slice %arg6[%dma_wait3A_745, %dma_wait3A_759, %dma_wait3A_760] : memref<4x104x128xf32, #tpu.memory_space<vmem>> -> memref<1x104x128xf32, #tpu.memory_space<vmem>>
        %dma_wait3A_762 = tpu.memref_squeeze %dma_wait3A_761 : memref<1x104x128xf32, #tpu.memory_space<vmem>> -> memref<104x128xf32, #tpu.memory_space<vmem>>
        tpu.wait_dma2 semaphore(%dma_wait3A_755 : memref<!tpu.dma_semaphore, #tpu.memory_space<semaphore_mem>>) src(%dma_wait3A_762 : memref<104x128xf32, #tpu.memory_space<vmem>>) dst(%dma_wait3A_758 : memref<104x128xf32, #tpu.memory_space<hbm>>)
        %mul3A_763 = arith.constant 104 : i32
        %mul3A_764 = arith.muli %add3A_730, %mul3A_763 : i32
        %dma_start3A_765 = arith.constant 2 : i32
        %dma_start3A_766 = arith.constant 2 : i32
        %dma_start3A_767 = arith.constant 0 : i32
        %dma_start3A_768 = arith.constant 0 : i32
        %dma_start3A_769 = tpu.memref_slice %arg6[%dma_start3A_765, %dma_start3A_767, %dma_start3A_768] : memref<4x104x128xf32, #tpu.memory_space<vmem>> -> memref<1x104x128xf32, #tpu.memory_space<vmem>>
        %dma_start3A_770 = tpu.memref_squeeze %dma_start3A_769 : memref<1x104x128xf32, #tpu.memory_space<vmem>> -> memref<104x128xf32, #tpu.memory_space<vmem>>
        %dma_start3A_771 = tpu.memref_slice %arg5[%mul3A_764] : memref<3328xi32, #tpu.memory_space<vmem>> -> memref<104xi32, #tpu.memory_space<vmem>>
        %dma_start3A_772 = arith.constant 0 : i32
        %dma_start3A_773 = arith.constant 0 : i32
        %dma_start3A_774 = tpu.memref_slice %arg2[%dma_start3A_772, %dma_start3A_773] : memref<100000x128xf32, #tpu.memory_space<hbm>> -> memref<100000x128xf32, #tpu.memory_space<hbm>>
        %dma_start3A_775 = tpu.memref_slice %arg7[%dma_start3A_766] : memref<4x!tpu.dma_semaphore, #tpu.memory_space<semaphore_mem>> -> memref<1x!tpu.dma_semaphore, #tpu.memory_space<semaphore_mem>>
        %dma_start3A_776 = tpu.memref_squeeze %dma_start3A_775 : memref<1x!tpu.dma_semaphore, #tpu.memory_space<semaphore_mem>> -> memref<!tpu.dma_semaphore, #tpu.memory_space<semaphore_mem>>
        tpu.enqueue_indirect_dma source(%dma_start3A_774 : memref<100000x128xf32, #tpu.memory_space<hbm>>) target(%dma_start3A_770 : memref<104x128xf32, #tpu.memory_space<vmem>>) offsets(%dma_start3A_771 : memref<104xi32, #tpu.memory_space<vmem>>) semaphore(%dma_start3A_776 : memref<!tpu.dma_semaphore, #tpu.memory_space<semaphore_mem>>)
      } else {
      }
      %add3A_736 = arith.constant 3 : i32
      %add3A_737 = arith.addi %add3A_135, %add3A_736 : i32
      %add3A_738 = arith.constant 4 : i32
      %add3A_739 = arith.addi %add3A_737, %add3A_738 : i32
      %lt3A_740 = arith.constant 32 : i32
      %lt3A_741 = arith.cmpi slt, %add3A_739, %lt3A_740 : i32
      %convert_element_type3A_742 = arith.extui %lt3A_741 : i1 to i32
      %cond3A_743 = arith.constant 0 : i32
      %cond3A_744 = arith.cmpi ne, %convert_element_type3A_742, %cond3A_743 : i32
      scf.if %cond3A_744 {
        %dma_wait3A_745 = arith.constant 3 : i32
        %dma_wait3A_746 = arith.constant 3 : i32
        %dma_wait3A_747 = arith.constant 0 : i32
        %dma_wait3A_748 = arith.constant 0 : i32
        %dma_wait3A_749 = tpu.memref_slice %arg6[%dma_wait3A_745, %dma_wait3A_747, %dma_wait3A_748] : memref<4x104x128xf32, #tpu.memory_space<vmem>> -> memref<1x104x128xf32, #tpu.memory_space<vmem>>
        %dma_wait3A_750 = tpu.memref_squeeze %dma_wait3A_749 : memref<1x104x128xf32, #tpu.memory_space<vmem>> -> memref<104x128xf32, #tpu.memory_space<vmem>>
        %dma_wait3A_751 = arith.constant 0 : i32
        %dma_wait3A_752 = arith.constant 0 : i32
        %dma_wait3A_753 = tpu.memref_slice %arg2[%dma_wait3A_751, %dma_wait3A_752] : memref<100000x128xf32, #tpu.memory_space<hbm>> -> memref<104x128xf32, #tpu.memory_space<hbm>>
        %dma_wait3A_754 = tpu.memref_slice %arg8[%dma_wait3A_746] : memref<4x!tpu.dma_semaphore, #tpu.memory_space<semaphore_mem>> -> memref<1x!tpu.dma_semaphore, #tpu.memory_space<semaphore_mem>>
        %dma_wait3A_755 = tpu.memref_squeeze %dma_wait3A_754 : memref<1x!tpu.dma_semaphore, #tpu.memory_space<semaphore_mem>> -> memref<!tpu.dma_semaphore, #tpu.memory_space<semaphore_mem>>
        %dma_wait3A_756 = arith.constant 0 : i32
        %dma_wait3A_757 = arith.constant 0 : i32
        %dma_wait3A_758 = tpu.memref_slice %arg2[%dma_wait3A_756, %dma_wait3A_757] : memref<100000x128xf32, #tpu.memory_space<hbm>> -> memref<104x128xf32, #tpu.memory_space<hbm>>
        %dma_wait3A_759 = arith.constant 0 : i32
        %dma_wait3A_760 = arith.constant 0 : i32
        %dma_wait3A_761 = tpu.memref_slice %arg6[%dma_wait3A_745, %dma_wait3A_759, %dma_wait3A_760] : memref<4x104x128xf32, #tpu.memory_space<vmem>> -> memref<1x104x128xf32, #tpu.memory_space<vmem>>
        %dma_wait3A_762 = tpu.memref_squeeze %dma_wait3A_761 : memref<1x104x128xf32, #tpu.memory_space<vmem>> -> memref<104x128xf32, #tpu.memory_space<vmem>>
        tpu.wait_dma2 semaphore(%dma_wait3A_755 : memref<!tpu.dma_semaphore, #tpu.memory_space<semaphore_mem>>) src(%dma_wait3A_762 : memref<104x128xf32, #tpu.memory_space<vmem>>) dst(%dma_wait3A_758 : memref<104x128xf32, #tpu.memory_space<hbm>>)
        %mul3A_763 = arith.constant 104 : i32
        %mul3A_764 = arith.muli %add3A_739, %mul3A_763 : i32
        %dma_start3A_765 = arith.constant 3 : i32
        %dma_start3A_766 = arith.constant 3 : i32
        %dma_start3A_767 = arith.constant 0 : i32
        %dma_start3A_768 = arith.constant 0 : i32
        %dma_start3A_769 = tpu.memref_slice %arg6[%dma_start3A_765, %dma_start3A_767, %dma_start3A_768] : memref<4x104x128xf32, #tpu.memory_space<vmem>> -> memref<1x104x128xf32, #tpu.memory_space<vmem>>
        %dma_start3A_770 = tpu.memref_squeeze %dma_start3A_769 : memref<1x104x128xf32, #tpu.memory_space<vmem>> -> memref<104x128xf32, #tpu.memory_space<vmem>>
        %dma_start3A_771 = tpu.memref_slice %arg5[%mul3A_764] : memref<3328xi32, #tpu.memory_space<vmem>> -> memref<104xi32, #tpu.memory_space<vmem>>
        %dma_start3A_772 = arith.constant 0 : i32
        %dma_start3A_773 = arith.constant 0 : i32
        %dma_start3A_774 = tpu.memref_slice %arg2[%dma_start3A_772, %dma_start3A_773] : memref<100000x128xf32, #tpu.memory_space<hbm>> -> memref<100000x128xf32, #tpu.memory_space<hbm>>
        %dma_start3A_775 = tpu.memref_slice %arg7[%dma_start3A_766] : memref<4x!tpu.dma_semaphore, #tpu.memory_space<semaphore_mem>> -> memref<1x!tpu.dma_semaphore, #tpu.memory_space<semaphore_mem>>
        %dma_start3A_776 = tpu.memref_squeeze %dma_start3A_775 : memref<1x!tpu.dma_semaphore, #tpu.memory_space<semaphore_mem>> -> memref<!tpu.dma_semaphore, #tpu.memory_space<semaphore_mem>>
        tpu.enqueue_indirect_dma source(%dma_start3A_774 : memref<100000x128xf32, #tpu.memory_space<hbm>>) target(%dma_start3A_770 : memref<104x128xf32, #tpu.memory_space<vmem>>) offsets(%dma_start3A_771 : memref<104xi32, #tpu.memory_space<vmem>>) semaphore(%dma_start3A_776 : memref<!tpu.dma_semaphore, #tpu.memory_space<semaphore_mem>>)
      } else {
      }
    }
    %scan3A_59 = arith.constant 8 : i32
    %dma_wait3A = arith.constant 0 : i32
    %dma_wait3A_60 = arith.constant 0 : i32
    %dma_wait3A_61 = arith.constant 0 : i32
    %dma_wait3A_62 = arith.constant 0 : i32
    %dma_wait3A_63 = tpu.memref_slice %arg6[%dma_wait3A, %dma_wait3A_61, %dma_wait3A_62] : memref<4x104x128xf32, #tpu.memory_space<vmem>> -> memref<1x104x128xf32, #tpu.memory_space<vmem>>
    %dma_wait3A_64 = tpu.memref_squeeze %dma_wait3A_63 : memref<1x104x128xf32, #tpu.memory_space<vmem>> -> memref<104x128xf32, #tpu.memory_space<vmem>>
    %dma_wait3A_65 = arith.constant 0 : i32
    %dma_wait3A_66 = arith.constant 0 : i32
    %dma_wait3A_67 = tpu.memref_slice %arg2[%dma_wait3A_65, %dma_wait3A_66] : memref<100000x128xf32, #tpu.memory_space<hbm>> -> memref<104x128xf32, #tpu.memory_space<hbm>>
    %dma_wait3A_68 = tpu.memref_slice %arg8[%dma_wait3A_60] : memref<4x!tpu.dma_semaphore, #tpu.memory_space<semaphore_mem>> -> memref<1x!tpu.dma_semaphore, #tpu.memory_space<semaphore_mem>>
    %dma_wait3A_69 = tpu.memref_squeeze %dma_wait3A_68 : memref<1x!tpu.dma_semaphore, #tpu.memory_space<semaphore_mem>> -> memref<!tpu.dma_semaphore, #tpu.memory_space<semaphore_mem>>
    %dma_wait3A_70 = arith.constant 0 : i32
    %dma_wait3A_71 = arith.constant 0 : i32
    %dma_wait3A_72 = tpu.memref_slice %arg2[%dma_wait3A_70, %dma_wait3A_71] : memref<100000x128xf32, #tpu.memory_space<hbm>> -> memref<104x128xf32, #tpu.memory_space<hbm>>
    %dma_wait3A_73 = arith.constant 0 : i32
    %dma_wait3A_74 = arith.constant 0 : i32
    %dma_wait3A_75 = tpu.memref_slice %arg6[%dma_wait3A, %dma_wait3A_73, %dma_wait3A_74] : memref<4x104x128xf32, #tpu.memory_space<vmem>> -> memref<1x104x128xf32, #tpu.memory_space<vmem>>
    %dma_wait3A_76 = tpu.memref_squeeze %dma_wait3A_75 : memref<1x104x128xf32, #tpu.memory_space<vmem>> -> memref<104x128xf32, #tpu.memory_space<vmem>>
    tpu.wait_dma2 semaphore(%dma_wait3A_69 : memref<!tpu.dma_semaphore, #tpu.memory_space<semaphore_mem>>) src(%dma_wait3A_76 : memref<104x128xf32, #tpu.memory_space<vmem>>) dst(%dma_wait3A_72 : memref<104x128xf32, #tpu.memory_space<hbm>>)
    %dma_wait3A_77 = arith.constant 1 : i32
    %dma_wait3A_78 = arith.constant 1 : i32
    %dma_wait3A_79 = arith.constant 0 : i32
    %dma_wait3A_80 = arith.constant 0 : i32
    %dma_wait3A_81 = tpu.memref_slice %arg6[%dma_wait3A_77, %dma_wait3A_79, %dma_wait3A_80] : memref<4x104x128xf32, #tpu.memory_space<vmem>> -> memref<1x104x128xf32, #tpu.memory_space<vmem>>
    %dma_wait3A_82 = tpu.memref_squeeze %dma_wait3A_81 : memref<1x104x128xf32, #tpu.memory_space<vmem>> -> memref<104x128xf32, #tpu.memory_space<vmem>>
    %dma_wait3A_83 = arith.constant 0 : i32
    %dma_wait3A_84 = arith.constant 0 : i32
    %dma_wait3A_85 = tpu.memref_slice %arg2[%dma_wait3A_83, %dma_wait3A_84] : memref<100000x128xf32, #tpu.memory_space<hbm>> -> memref<104x128xf32, #tpu.memory_space<hbm>>
    %dma_wait3A_86 = tpu.memref_slice %arg8[%dma_wait3A_78] : memref<4x!tpu.dma_semaphore, #tpu.memory_space<semaphore_mem>> -> memref<1x!tpu.dma_semaphore, #tpu.memory_space<semaphore_mem>>
    %dma_wait3A_87 = tpu.memref_squeeze %dma_wait3A_86 : memref<1x!tpu.dma_semaphore, #tpu.memory_space<semaphore_mem>> -> memref<!tpu.dma_semaphore, #tpu.memory_space<semaphore_mem>>
    %dma_wait3A_88 = arith.constant 0 : i32
    %dma_wait3A_89 = arith.constant 0 : i32
    %dma_wait3A_90 = tpu.memref_slice %arg2[%dma_wait3A_88, %dma_wait3A_89] : memref<100000x128xf32, #tpu.memory_space<hbm>> -> memref<104x128xf32, #tpu.memory_space<hbm>>
    %dma_wait3A_91 = arith.constant 0 : i32
    %dma_wait3A_92 = arith.constant 0 : i32
    %dma_wait3A_93 = tpu.memref_slice %arg6[%dma_wait3A_77, %dma_wait3A_91, %dma_wait3A_92] : memref<4x104x128xf32, #tpu.memory_space<vmem>> -> memref<1x104x128xf32, #tpu.memory_space<vmem>>
    %dma_wait3A_94 = tpu.memref_squeeze %dma_wait3A_93 : memref<1x104x128xf32, #tpu.memory_space<vmem>> -> memref<104x128xf32, #tpu.memory_space<vmem>>
    tpu.wait_dma2 semaphore(%dma_wait3A_87 : memref<!tpu.dma_semaphore, #tpu.memory_space<semaphore_mem>>) src(%dma_wait3A_94 : memref<104x128xf32, #tpu.memory_space<vmem>>) dst(%dma_wait3A_90 : memref<104x128xf32, #tpu.memory_space<hbm>>)
    %dma_wait3A_95 = arith.constant 2 : i32
    %dma_wait3A_96 = arith.constant 2 : i32
    %dma_wait3A_97 = arith.constant 0 : i32
    %dma_wait3A_98 = arith.constant 0 : i32
    %dma_wait3A_99 = tpu.memref_slice %arg6[%dma_wait3A_95, %dma_wait3A_97, %dma_wait3A_98] : memref<4x104x128xf32, #tpu.memory_space<vmem>> -> memref<1x104x128xf32, #tpu.memory_space<vmem>>
    %dma_wait3A_100 = tpu.memref_squeeze %dma_wait3A_99 : memref<1x104x128xf32, #tpu.memory_space<vmem>> -> memref<104x128xf32, #tpu.memory_space<vmem>>
    %dma_wait3A_101 = arith.constant 0 : i32
    %dma_wait3A_102 = arith.constant 0 : i32
    %dma_wait3A_103 = tpu.memref_slice %arg2[%dma_wait3A_101, %dma_wait3A_102] : memref<100000x128xf32, #tpu.memory_space<hbm>> -> memref<104x128xf32, #tpu.memory_space<hbm>>
    %dma_wait3A_104 = tpu.memref_slice %arg8[%dma_wait3A_96] : memref<4x!tpu.dma_semaphore, #tpu.memory_space<semaphore_mem>> -> memref<1x!tpu.dma_semaphore, #tpu.memory_space<semaphore_mem>>
    %dma_wait3A_105 = tpu.memref_squeeze %dma_wait3A_104 : memref<1x!tpu.dma_semaphore, #tpu.memory_space<semaphore_mem>> -> memref<!tpu.dma_semaphore, #tpu.memory_space<semaphore_mem>>
    %dma_wait3A_106 = arith.constant 0 : i32
    %dma_wait3A_107 = arith.constant 0 : i32
    %dma_wait3A_108 = tpu.memref_slice %arg2[%dma_wait3A_106, %dma_wait3A_107] : memref<100000x128xf32, #tpu.memory_space<hbm>> -> memref<104x128xf32, #tpu.memory_space<hbm>>
    %dma_wait3A_109 = arith.constant 0 : i32
    %dma_wait3A_110 = arith.constant 0 : i32
    %dma_wait3A_111 = tpu.memref_slice %arg6[%dma_wait3A_95, %dma_wait3A_109, %dma_wait3A_110] : memref<4x104x128xf32, #tpu.memory_space<vmem>> -> memref<1x104x128xf32, #tpu.memory_space<vmem>>
    %dma_wait3A_112 = tpu.memref_squeeze %dma_wait3A_111 : memref<1x104x128xf32, #tpu.memory_space<vmem>> -> memref<104x128xf32, #tpu.memory_space<vmem>>
    tpu.wait_dma2 semaphore(%dma_wait3A_105 : memref<!tpu.dma_semaphore, #tpu.memory_space<semaphore_mem>>) src(%dma_wait3A_112 : memref<104x128xf32, #tpu.memory_space<vmem>>) dst(%dma_wait3A_108 : memref<104x128xf32, #tpu.memory_space<hbm>>)
    %dma_wait3A_113 = arith.constant 3 : i32
    %dma_wait3A_114 = arith.constant 3 : i32
    %dma_wait3A_115 = arith.constant 0 : i32
    %dma_wait3A_116 = arith.constant 0 : i32
    %dma_wait3A_117 = tpu.memref_slice %arg6[%dma_wait3A_113, %dma_wait3A_115, %dma_wait3A_116] : memref<4x104x128xf32, #tpu.memory_space<vmem>> -> memref<1x104x128xf32, #tpu.memory_space<vmem>>
    %dma_wait3A_118 = tpu.memref_squeeze %dma_wait3A_117 : memref<1x104x128xf32, #tpu.memory_space<vmem>> -> memref<104x128xf32, #tpu.memory_space<vmem>>
    %dma_wait3A_119 = arith.constant 0 : i32
    %dma_wait3A_120 = arith.constant 0 : i32
    %dma_wait3A_121 = tpu.memref_slice %arg2[%dma_wait3A_119, %dma_wait3A_120] : memref<100000x128xf32, #tpu.memory_space<hbm>> -> memref<104x128xf32, #tpu.memory_space<hbm>>
    %dma_wait3A_122 = tpu.memref_slice %arg8[%dma_wait3A_114] : memref<4x!tpu.dma_semaphore, #tpu.memory_space<semaphore_mem>> -> memref<1x!tpu.dma_semaphore, #tpu.memory_space<semaphore_mem>>
    %dma_wait3A_123 = tpu.memref_squeeze %dma_wait3A_122 : memref<1x!tpu.dma_semaphore, #tpu.memory_space<semaphore_mem>> -> memref<!tpu.dma_semaphore, #tpu.memory_space<semaphore_mem>>
    %dma_wait3A_124 = arith.constant 0 : i32
    %dma_wait3A_125 = arith.constant 0 : i32
    %dma_wait3A_126 = tpu.memref_slice %arg2[%dma_wait3A_124, %dma_wait3A_125] : memref<100000x128xf32, #tpu.memory_space<hbm>> -> memref<104x128xf32, #tpu.memory_space<hbm>>
    %dma_wait3A_127 = arith.constant 0 : i32
    %dma_wait3A_128 = arith.constant 0 : i32
    %dma_wait3A_129 = tpu.memref_slice %arg6[%dma_wait3A_113, %dma_wait3A_127, %dma_wait3A_128] : memref<4x104x128xf32, #tpu.memory_space<vmem>> -> memref<1x104x128xf32, #tpu.memory_space<vmem>>
    %dma_wait3A_130 = tpu.memref_squeeze %dma_wait3A_129 : memref<1x104x128xf32, #tpu.memory_space<vmem>> -> memref<104x128xf32, #tpu.memory_space<vmem>>
    tpu.wait_dma2 semaphore(%dma_wait3A_123 : memref<!tpu.dma_semaphore, #tpu.memory_space<semaphore_mem>>) src(%dma_wait3A_130 : memref<104x128xf32, #tpu.memory_space<vmem>>) dst(%dma_wait3A_126 : memref<104x128xf32, #tpu.memory_space<hbm>>)
    return
  }
}

</mosaic_0001>

<sc_bundles>
// kernel: kernel.3.cloned.1.call-start
scs
__scs_entry_jumppad:
0x0: {  	(pc) =	sbr.rel $0x88, $3  }
0x1: {  	(tag) =	ssettag $0x0;
	lr =	simm.s32 $0x1  }
0x2: {  	[smem:$0x3F9F] =	sst lr;
	_ =	strace $0xD0000000  }
0x3: {  	_ = 	snop  }
0x4: {  	_ = 	snop  }
0x5: {  	_ = 	snop  }
0x6: {  	_ = 	snop  }
0x7: {  	_ = 	snop  }
__scs_overlays_trampoline_lowered:
0x8: {  	[smem:$0x3FAE] =	sst s0  }
0x9: {  	[smem:$0x3FAF] =	sst s1  }
0xa: {  	[smem:$0x3FB0] =	sst s2  }
0xb: {  	[smem:$0x3FB1] =	sst s3  }
0xc: {  	[smem:$0x3FB2] =	sst s4  }
0xd: {  	[smem:$0x3FB3] =	sst s5  }
0xe: {  	[smem:$0x3FB4] =	sst s6  }
0xf: {  	[smem:$0x3FB5] =	sst s7  }
0x10: {  	[smem:$0x3FB6] =	sst s8  }
0x11: {  	[smem:$0x3FB7] =	sst s9;
	s0 =	simm.s32 @!p0 $0x0  }
0x12: {  	s1 =	sld [smem:$0x3F9D];
	s0 =	simm.s32 @p0 $0x1  }
0x13: {  	[smem:$0x3FB8] =	sst s0;
	s0 =	simm.s32 @!p1 $0x0  }
0x14: {  	s2 =	sld [smem:$0x3F9C];
	s0 =	simm.s32 @p1 $0x1  }
0x15: {  	[smem:$0x3FB9] =	sst s0;
	s0 =	simm.s32 @!p2 $0x0  }
0x16: {  	s3 =	sld [smem:$0x3FDB];
	s0 =	simm.s32 @p2 $0x1  }
0x17: {  	s4 =	simm.s32 $0x1BF5;
	[smem:$0x3FBB] =	sst s0  }
0x18: {  	s0 =	sld [smem:$0x3F9E];
	_ =	swait.ge [sflag:s4], $0x0  }
0x19: {  	s7 =	sld [smem:$0x3F9F]  }
0x1a: {  	s8 =	sadd.s32 $0xFFFFE003, lr  }
0x1b: {  	s9 =	sadd.s32 $0xFFFFFEF7, lr;
	s5 =	simm.s32 $0xFFFFFFFF;
	p2 =	slt.u32 s8, $0xFFFFF086  }
0x1c: {  	p1 =	slt.u32 s9, $0xF7A;
	s5 =	simm.s32 @!p2 $0x0  }
0x1d: {  	s5 =	simm.s32 @p1 $0x1;
	p0 =	seq.s32 s7, s2  }
0x1e: {  	s7 =	smul.u32 @!p0 $0xF7A, s2;
	p2 =	seq.s32 @!p0 s5, $0x0  }
0x1f: {  	s9 =	smul.u32 $0xF7A, s1;
	s8 =	simm.s32 @!p0 $0x1BF5;
	p2 =	por !p2, p0  }
0x20: {  	[sflag:s8] =	ssyncset.s32 @!p0 $0xFFFFF086;
	s6 =	sadd.s32 @!p0 s3, s7;
	s7 =	simm.s32 @!p0 $0x108  }
0x21: {  	s3 =	sadd.s32 s3, s9;
	s6 =	sadd.s32 @!p0 $0x88, s6;
	s7 =	simm.s32 @p2 $0x1082  }
0x22: {  	[simem:s7], [sflag:s8] =	dma.local @!p0 [hbm:s6], $0xF7A  }
0x23: {  	s9 =	sor.u32 $0xD0000000, s2;
	s6 =	simm.s32 $0x108;
	_ =	swait.ge @!p0 [sflag:s8], $0x0  }
0x24: {  	s3 =	sadd.s32 $0x88, s3;
	s6 =	simm.s32 @!p1 $0x1082;
	[sflag:s4] =	ssyncset.s32 $0xFFFFF086  }
0x25: {  	[simem:s6], [sflag:s4] =	dma.local [hbm:s3], $0xF7A  }
0x26: {  	[smem:$0x3F9F] =	sst s1;
	(tag) =	ssettag s2;
	_ =	strace s9  }
0x27: {  	s1 =	sld [smem:$0x3FAF]  }
0x28: {  	s2 =	sld [smem:$0x3FB0]  }
0x29: {  	s4 =	sld [smem:$0x3FB2]  }
0x2a: {  	p0 =	seq.s32 s5, $0x0;
	s5 =	sld [smem:$0x3FB3]  }
0x2b: {  	s6 =	sld [smem:$0x3FB4]  }
0x2c: {  	s7 =	sld [smem:$0x3FB5]  }
0x2d: {  	s3 =	simm.s32 $0x108;
	s8 =	sld [smem:$0x3FB6]  }
0x2e: {  	s3 =	simm.s32 @!p0 $0x1082;
	s9 =	sld [smem:$0x3FB7]  }
0x2f: {  	lr =	sadd.s32 s0, s3;
	s0 =	sld [smem:$0x3FAE]  }
0x30: {  	s3 =	sld [smem:$0x3FB1]  }
0x31: {  	[smem:$0x3FBA] =	sst s10  }
0x32: {  	s10 =	sld [smem:$0x3FB8];
	_ =	sdelay $0x3  }
0x33: {  	p0 =	seq.s32 s10, $0x1;
	s10 =	sld [smem:$0x3FBA];
	_ =	sdelay $0x3  }
0x34: {  	[smem:$0x3FBA] =	sst s10  }
0x35: {  	s10 =	sld [smem:$0x3FB9];
	_ =	sdelay $0x3  }
0x36: {  	p1 =	seq.s32 s10, $0x1;
	s10 =	sld [smem:$0x3FBA];
	_ =	sdelay $0x3  }
0x37: {  	[smem:$0x3FBA] =	sst s10  }
0x38: {  	s10 =	sld [smem:$0x3FBB]  }
0x39: {  	_ = 	snop;
	(pc) =	sbr.ind lr, $3  }
0x3a: {  	_ = 	snop  }
0x3b: {  	_ = 	snop  }
0x3c: {  	p2 =	seq.s32 s10, $0x1;
	s10 =	sld [smem:$0x3FBA]  }
0x3d: {  	_ =	shalt  }
0x3e: {  	_ =	shalt  }
0x3f: {  	_ =	shalt  }
0x40: {  	_ =	shalt  }
0x41: {  	_ =	shalt  }
0x42: {  	_ =	shalt  }
0x43: {  	_ =	shalt  }
0x44: {  	_ =	shalt  }
0x45: {  	_ =	shalt  }
0x46: {  	_ =	shalt  }
0x47: {  	_ =	shalt  }
0x48: {  	_ =	shalt  }
0x49: {  	_ =	shalt  }
0x4a: {  	_ =	shalt  }
0x4b: {  	_ =	shalt  }
0x4c: {  	_ =	shalt  }
0x4d: {  	_ =	shalt  }
0x4e: {  	_ =	shalt  }
0x4f: {  	_ =	shalt  }
0x50: {  	_ =	shalt  }
0x51: {  	_ =	shalt  }
0x52: {  	_ =	shalt  }
0x53: {  	_ =	shalt  }
0x54: {  	_ =	shalt  }
0x55: {  	_ =	shalt  }
0x56: {  	_ =	shalt  }
0x57: {  	_ =	shalt  }
0x58: {  	_ =	shalt  }
0x59: {  	_ =	shalt  }
0x5a: {  	_ =	shalt  }
0x5b: {  	_ =	shalt  }
0x5c: {  	_ =	shalt  }
0x5d: {  	_ =	shalt  }
0x5e: {  	_ =	shalt  }
0x5f: {  	_ =	shalt  }
0x60: {  	_ =	shalt  }
0x61: {  	_ =	shalt  }
0x62: {  	_ =	shalt  }
0x63: {  	_ =	shalt  }
0x64: {  	_ =	shalt  }
0x65: {  	_ =	shalt  }
0x66: {  	_ =	shalt  }
0x67: {  	_ =	shalt  }
0x68: {  	_ =	shalt  }
0x69: {  	_ =	shalt  }
0x6a: {  	_ =	shalt  }
0x6b: {  	_ =	shalt  }
0x6c: {  	_ =	shalt  }
0x6d: {  	_ =	shalt  }
0x6e: {  	_ =	shalt  }
0x6f: {  	_ =	shalt  }
0x70: {  	_ =	shalt  }
0x71: {  	_ =	shalt  }
0x72: {  	_ =	shalt  }
0x73: {  	_ =	shalt  }
0x74: {  	_ =	shalt  }
0x75: {  	_ =	shalt  }
0x76: {  	_ =	shalt  }
0x77: {  	_ =	shalt  }
0x78: {  	_ =	shalt  }
0x79: {  	_ =	shalt  }
0x7a: {  	_ =	shalt  }
0x7b: {  	_ =	shalt  }
0x7c: {  	_ =	shalt  }
0x7d: {  	_ =	shalt  }
0x7e: {  	_ =	shalt  }
0x7f: {  	_ =	shalt  }
0x80: {  	_ =	shalt  }
0x81: {  	_ =	shalt  }
0x82: {  	_ =	shalt  }
0x83: {  	_ =	shalt  }
0x84: {  	_ =	shalt  }
0x85: {  	_ =	shalt  }
0x86: {  	_ =	shalt  }
0x87: {  	_ =	shalt  }
.Lfunc_end0:
.L_simem_size_0:
called_computation_lowered:
.L_overlay_start_0:
0x88: {  	s2 =	sld [smem:$0x3FD9]  }
0x89: {  	s3 =	sld [smem:$0x3FFE];
	_ =	sdelay $0x1  }
0x8a: {  	s1 =	srdreg.scid  }
0x8b: {  	s0 =	sand.u32 $0x1, s1  }
0x8c: {  	s17 =	sshll.u32 s0, $0xA;
	s2 =	sadd.s32 s3, s2  }
0x8d: {  	s2 =	sadd.s32 s2, s17  }
0x8e: {  	[smem:$0x3FC6] =	sst s2  }
0x8f: {  	_ = 	snop  }
0x90: {  	s2 =	sld [smem:$0x3FC8]  }
0x91: {  	s18 =	sld [smem:$0x3FD0];
	(tm) =	ssettm $0x1  }
0x92: {  	s4 =	sld [smem:$0x3FFB];
	_ =	sdelay $0x3  }
0x93: {  	_ =	strace s4  }
0x94: {  	s4 =	sld [smem:$0x3FFC];
	_ =	sdelay $0x3  }
0x95: {  	_ =	strace s4  }
0x96: {  	s4 =	sld [smem:$0x3FFD];
	_ =	sdelay $0x3  }
0x97: {  	_ =	strace s4  }
0x98: {  	_ =	strace $0x8FFFFFFF  }
0x99: {  	s19 =	sld [smem:$0x3FDB];
	_ =	sdelay $0x1  }
0x9a: {  	s5 =	simm.s32 $_scs_section_size  }
0x9b: {  	s6 =	simm.s32 $_size__tile_overlayer_lowered;
	s7 =	simm.s32 $_tile_overlayer_lowered  }
0x9c: {  	s22 =	simm.s32 $0x1BFF;
	s21 =	sshll.u32 s7, $0x1;
	s4 =	sadd.s32 s5, s19  }
0x9d: {  	s8 =	simm.s32 $0x0;
	s20 =	sshll.u32 s6, $0x1;
	s6 =	sadd.s32 s21, s4  }
0x9e: {  	[timem:s8], [sflag:s22] =	dma.local [hbm:s6], s20  }
0x9f: {  	_ =	swait.ge [sflag:s22], s20  }
0xa0: {  	s5 =	ssub.s32 $0x0, s20;
	[sflag:s22] =	ssyncset.done $0x0  }
0xa1: {  	[sflag:s22] =	ssyncadd.s32 s5;
	_ =	sdelay $0x1  }
0xa2: {  	s23 =	simm.s32 $0x1B8B  }
0xa3: {  	_ =	swait.ge [sflag:s23], $0x1  }
0xa4: {  	[sflag:s23] =	ssyncset.done $0x0  }
0xa5: {  	s25 =	simm.s32 $0x1B8E;
	s24 =	sld [smem:$0x3FFE];
	[sflag:s23] =	ssyncadd.s32 $0xFFFFFFFF  }
0xa6: {  	s26 =	simm.s32 $execute0_lowered;
	[smem:$0x3FD2] =	sst s25  }
0xa7: {  	s6 =	sshll.u32 s26, $0x1;
	_ =	strace $0x80000046;
	[dreg:$0x1] =	wrdreg $0xFFFFFFFF  }
0xa8: {  	s28 =	simm.s32 $_size_execute0_lowered;
	s4 =	sadd.s32 s4, s6;
	[dreg:$0x0] =	wrdreg $0x0  }
0xa9: {  	s6 =	sshll.u32 s28, $0x1;
	[dreg:$0x2] =	wrdreg s4  }
0xaa: {  	[dreg:$0x3] =	wrdreg s6  }
0xab: {  	[dreg:$0x4] =	wrdreg $0xC0  }
0xac: {  	_ =	task [dreg:s8], $0x5FFFF  }
0xad: {  	[dreg:$0x1] =	wrdreg $0xFFFFFFFF  }
0xae: {  	[dreg:$0x0] =	wrdreg $0x60  }
0xaf: {  	[dreg:$0x2] =	wrdreg s2  }
0xb0: {  	[dreg:$0x3] =	wrdreg s18  }
0xb1: {  	[dreg:$0x4] =	wrdreg s24  }
0xb2: {  	[dreg:$0x5] =	wrdreg $0x9  }
0xb3: {  	_ =	task.clear_ibuf [dreg:s8], $0x6FFFF;
	_ =	strace $0x90000046  }
0xb4: {  	s29 =	simm.s32 $0x9;
	_ =	strace $0x80000048  }
0xb5: {  	_ =	swait.ge [sflag:s29], $0x1  }
0xb6: {  	[sflag:s29] =	ssyncadd.s32 $0xFFFFFFFF  }
0xb7: {  	_ =	strace $0x90000048  }
0xb8: {  	_ =	sfence  }
0xb9: {  	s30 =	sld [smem:$0x0];
	_ =	sdelay $0x2  }
0xba: {  	s31 =	sshll.u32 s1, $0xD;
	s1 =	sshrl.u32 s1, $0x2  }
0xbb: {  	s3 =	sand.u32 $0x4000, s31;
	s1 =	sadd.s32 s1, s30  }
0xbc: {  	s0 =	sor.u32 s3, s0;
	s1 =	sshll.u32 s1, $0x11  }
0xbd: {  	s0 =	sor.u32 s1, s0  }
0xbe: {  	s0 =	sadd.s32 $0x8F2B, s0  }
0xbf: {  	[sflag:s0] =	ssyncadd.remote.s32 $0x1  }
0xc0: {  	_ =	sfence.sel $0xFFFF  }
0xc1: {  	[dreg:$0x0] =	wrdreg $0xFFFFFFFF;
	(pc) =	sbr.abs _section_cstart, $3  }
0xc2: {  	[dreg:$0x1] =	wrdreg $0xFFFFFFFF  }
0xc3: {  	_ =	task.clear_ibuf [dreg:s8], $0x2FFFF;
	_ =	strace $0x9FFFFFFF  }
0xc4: {  	(tm) =	ssettm $0x7FFFFFFF  }
0xc5: {  	_ =	shalt  }
tec
execute0_lowered:
.L_overlay_start_1:
0x0: {  	(tag) =	ssettag $0x1  }
0x1: {  	s1 =	rddreg [dreg:$0x0]  }
0x2: {  	s0 =	rddreg [dreg:$0x1]  }
0x3: {  	s2 =	rddreg [dreg:$0x2]  }
0x4: {  	s3 =	simm.s32 $0x0;
	s4 =	srdreg.scid;
	s8 =	stileid.u32  }
0x5: {  	s11 =	simm.s32 $0x68;
	s12 =	simm.s32 $0xD00;
	s13 =	simm.s32 $0x4100  }
0x6: {  	s15 =	simm.s32 $0x7500;
	s17 =	simm.s32 $0xA900;
	s18 =	simm.s32 $0x1  }
0x7: {  	s22 =	simm.s32 $0x2;
	s28 =	simm.s32 $0x8200;
	s29 =	simm.s32 $0x8F00  }
0x8: {  	s30 =	simm.s32 $0x9C00;
	s31 =	simm.s32 $0x4;
	s14 =	simm.s32 $0xD000  }
0x9: {  	s16 =	simm.s32 $0x5;
	s10 =	simm.s32 $0x8;
	s20 =	simm.s32 $0x0  }
0xa: {  	[smem:$0x7FF] =	sst s3;
	s4 =	sand.u32 $0x1, s4;
	s5 =	sshll.u32 s8, $0x1  }
0xb: {  	s2 =	sadd.s32 $0x400, s2;
	s8 =	sshll.u32 s8, $0x11;
	s5 =	sor.u32 s4, s5  }
0xc: {  	_ =	strace $0x80000047;
	s6 =	ssub.s32 $0x2, s4;
	s5 =	smul.u32 $0x1A0, s5  }
0xd: {  	s4 =	sshll.u32 s4, $0x10;
	s26 =	sadd.s32 s8, s2;
	s7 =	sshrl.u32 s6, $0x1  }
0xe: {  	s24 =	sor.u32 s4, s8;
	s6 =	ssub.s32 s6, s7;
	s0 =	sadd.s32 s0, s5  }
.Ltmp0:
0xf: {  	s25 =	smax.u32 s6, $0x1;
	s6 =	sadd.s32 s4, s26;
	(pc) =	sbr.rel .LBB2_1-.Ltmp0, $4  }
0x10: {  	s26 =	simm.s32 $0x3;
	s4 =	simm.s32 $0x6;
	[dreg:$0x4] =	wrdreg s0  }
0x11: {  	s5 =	simm.s32 $0x7;
	[dreg:$0x5] =	wrdreg s25;
	s0 =	sadd.s32 s24, s2  }
0x12: {  	s25 =	simm.s32 $0x6800;
	s2 =	simm.s32 $0xC300;
	s7 =	sadd.s32 $0x1800, s0  }
0x13: {  	s8 =	sadd.s32 $0x1000, s0;
	s9 =	sadd.s32 $0x800, s0;
	s0 =	simm.s32 $0xB600  }
.LBB2_4:
0x14: {  	_ =	swait.ge [sflag:s4], $0x3400  }
0x15: {  	[sflag:s4] =	ssyncset.done $0x0  }
0x16: {  	[sflag:s4] =	ssyncadd.s32 $0xFFFFCC00  }
0x17: {  	_ =	swait.ge [sflag:s5], $0x3400  }
0x18: {  	[sflag:s5] =	ssyncset.done $0x0  }
0x19: {  	[sflag:s5] =	ssyncadd.s32 $0xFFFFCC00  }
0x1a: {  	_ =	swait.ge [sflag:s10], $0x3400  }
0x1b: {  	s20 =	rddreg [dreg:$0x6]  }
0x1c: {  	s19 =	rddreg [dreg:$0x5];
	s20 =	sadd.s32 $0x1, s20  }
0x1d: {  	p0 =	sne.s32 s20, s19  }
.Ltmp1:
0x1e: {  	_ = 	snop;
	(pc) =	sbr.rel @!p0 .LBB2_5-.Ltmp1, $3  }
0x1f: {  	_ =	sdelay $0x1  }
0x20: {  	[sflag:s10] =	ssyncset.done $0x0  }
0x21: {  	[sflag:s10] =	ssyncadd.s32 $0xFFFFCC00  }
.LBB2_1:
0x22: {  	[dreg:$0x6] =	wrdreg s20  }
0x23: {  	s19 =	rddreg [dreg:$0x4];
	s21 =	simm.s32 $0x9  }
0x24: {  	[tilespmem:s3], [sflag:$0x9] =	stream.linear.gather [hbm4b:s19+s3], $0xD00, $0x38;
	[tilespmem:$0xDD00] =	vst v63  }
0x25: {  	_ =	swait.ge [sflag:s21], $0xD00  }
0x26: {  	[sflag:s21] =	ssyncset.done $0x0  }
0x27: {  	[sflag:s21] =	ssyncadd.s32 $0xFFFFF300  }
0x28: {  	[tilespmem:s12], [sflag:$0x1] =	stream.indirect.gather [hbm4b:s1+s11], $0x80, s3, s11, $0xb8;
	[tilespmem:$0xDD00] =	vst v63  }
0x29: {  	_ = 	snop  }
0x2a: {  	[tilespmem:s13], [sflag:$0x2] =	stream.indirect.gather [hbm4b:s1+s11], $0x80, s11, s11, $0xb8;
	[tilespmem:$0xDD00] =	vst v63  }
0x2b: {  	s23 =	simm.s32 $0xD0  }
0x2c: {  	[tilespmem:s15], [sflag:$0x3] =	stream.indirect.gather [hbm4b:s1+s11], $0x80, s23, s11, $0xb8;
	[tilespmem:$0xDD00] =	vst v63  }
0x2d: {  	s24 =	simm.s32 $0x138;
	s20 =	simm.s32 $0x0;
	s19 =	simm.s32 $0x2D8  }
0x2e: {  	[tilespmem:s17], [sflag:$0x4] =	stream.indirect.gather [hbm4b:s1+s11], $0x80, s24, s11, $0xb8;
	[tilespmem:$0xDD00] =	vst v63  }
.LBB2_2:
0x2f: {  	_ =	swait.ge [sflag:s18], $0x3400  }
0x30: {  	[sflag:s18] =	ssyncset.done $0x0  }
0x31: {  	s21 =	sadd.s32 s20, s6;
	[sflag:s18] =	ssyncadd.s32 $0xFFFFCC00  }
0x32: {  	[hbm4b:s21+s3] =	stream.linear.scatter [tilespmem:s12], [sflag:$0x5], $0xD00, $0x38;
	[tilespmem:$0xDD00] =	vst v63  }
0x33: {  	s24 =	simm.s32 $0x1A00;
	s23 =	sadd.s32 $0x200, s21  }
0x34: {  	[hbm4b:s23+s3] =	stream.linear.scatter [tilespmem:s24], [sflag:$0x5], $0xD00, $0x38;
	[tilespmem:$0xDD00] =	vst v63  }
0x35: {  	s23 =	sadd.s32 $0x400, s21;
	s24 =	simm.s32 $0x2700  }
0x36: {  	[hbm4b:s23+s3] =	stream.linear.scatter [tilespmem:s24], [sflag:$0x5], $0xD00, $0x38;
	[tilespmem:$0xDD00] =	vst v63  }
0x37: {  	s21 =	sadd.s32 $0x600, s21;
	s24 =	simm.s32 $0x3400  }
0x38: {  	[hbm4b:s21+s3] =	stream.linear.scatter [tilespmem:s24], [sflag:$0x5], $0xD00, $0x38;
	[tilespmem:$0xDD00] =	vst v63  }
0x39: {  	_ =	swait.ge [sflag:s22], $0x3400  }
0x3a: {  	[sflag:s22] =	ssyncset.done $0x0  }
0x3b: {  	s21 =	sadd.s32 s20, s9;
	[sflag:s22] =	ssyncadd.s32 $0xFFFFCC00  }
0x3c: {  	[hbm4b:s21+s3] =	stream.linear.scatter [tilespmem:s13], [sflag:$0x6], $0xD00, $0x38;
	[tilespmem:$0xDD00] =	vst v63  }
0x3d: {  	s24 =	simm.s32 $0x4E00;
	s23 =	sadd.s32 $0x200, s21  }
0x3e: {  	[hbm4b:s23+s3] =	stream.linear.scatter [tilespmem:s24], [sflag:$0x6], $0xD00, $0x38;
	[tilespmem:$0xDD00] =	vst v63  }
0x3f: {  	s23 =	sadd.s32 $0x400, s21;
	s24 =	simm.s32 $0x5B00  }
0x40: {  	[hbm4b:s23+s3] =	stream.linear.scatter [tilespmem:s24], [sflag:$0x6], $0xD00, $0x38;
	[tilespmem:$0xDD00] =	vst v63  }
0x41: {  	s21 =	sadd.s32 $0x600, s21  }
0x42: {  	[hbm4b:s21+s3] =	stream.linear.scatter [tilespmem:s25], [sflag:$0x6], $0xD00, $0x38;
	[tilespmem:$0xDD00] =	vst v63  }
0x43: {  	_ =	swait.ge [sflag:s26], $0x3400  }
0x44: {  	[sflag:s26] =	ssyncset.done $0x0  }
0x45: {  	s21 =	sadd.s32 s20, s8;
	[sflag:s26] =	ssyncadd.s32 $0xFFFFCC00  }
0x46: {  	[hbm4b:s21+s3] =	stream.linear.scatter [tilespmem:s15], [sflag:$0x7], $0xD00, $0x38;
	[tilespmem:$0xDD00] =	vst v63  }
0x47: {  	s24 =	sadd.s32 $0x200, s21  }
0x48: {  	[hbm4b:s24+s3] =	stream.linear.scatter [tilespmem:s28], [sflag:$0x7], $0xD00, $0x38;
	[tilespmem:$0xDD00] =	vst v63  }
0x49: {  	s24 =	sadd.s32 $0x400, s21  }
0x4a: {  	[hbm4b:s24+s3] =	stream.linear.scatter [tilespmem:s29], [sflag:$0x7], $0xD00, $0x38;
	[tilespmem:$0xDD00] =	vst v63  }
0x4b: {  	s21 =	sadd.s32 $0x600, s21  }
0x4c: {  	[hbm4b:s21+s3] =	stream.linear.scatter [tilespmem:s30], [sflag:$0x7], $0xD00, $0x38;
	[tilespmem:$0xDD00] =	vst v63  }
0x4d: {  	_ =	swait.ge [sflag:s31], $0x3400  }
0x4e: {  	[sflag:s31] =	ssyncset.done $0x0  }
0x4f: {  	s21 =	sadd.s32 s20, s7;
	[sflag:s31] =	ssyncadd.s32 $0xFFFFCC00  }
0x50: {  	[hbm4b:s21+s3] =	stream.linear.scatter [tilespmem:s17], [sflag:$0x8], $0xD00, $0x38;
	[tilespmem:$0xDD00] =	vst v63  }
0x51: {  	s24 =	sadd.s32 $0x200, s21  }
0x52: {  	[hbm4b:s24+s3] =	stream.linear.scatter [tilespmem:s0], [sflag:$0x8], $0xD00, $0x38;
	[tilespmem:$0xDD00] =	vst v63  }
0x53: {  	p0 =	seq.s32 s20, $0xE000;
	s24 =	sadd.s32 $0x400, s21  }
0x54: {  	[hbm4b:s24+s3] =	stream.linear.scatter [tilespmem:s2], [sflag:$0x8], $0xD00, $0x38;
	[tilespmem:$0xDD00] =	vst v63  }
.Ltmp2:
0x55: {  	s21 =	sadd.s32 $0x600, s21;
	(pc) =	sbr.rel @p0 .LBB2_4-.Ltmp2, $4  }
0x56: {  	[hbm4b:s21+s3] =	stream.linear.scatter [tilespmem:s14], [sflag:$0x8], $0xD00, $0x38;
	[tilespmem:$0xDD00] =	vst v63  }
0x57: {  	_ =	swait.ge [sflag:s16], $0x3400  }
0x58: {  	[sflag:s16] =	ssyncset.done $0x0  }
0x59: {  	[sflag:s16] =	ssyncadd.s32 $0xFFFFCC00  }
0x5a: {  	s21 =	sadd.s32 $0xFFFFFEC8, s19  }
0x5b: {  	[tilespmem:s12], [sflag:$0x1] =	stream.indirect.gather [hbm4b:s1+s11], $0x80, s21, s11, $0xb8;
	[tilespmem:$0xDD00] =	vst v63  }
0x5c: {  	_ =	swait.ge [sflag:s4], $0x3400  }
0x5d: {  	[sflag:s4] =	ssyncset.done $0x0  }
0x5e: {  	s23 =	sadd.s32 $0xFFFFFF30, s19;
	[sflag:s4] =	ssyncadd.s32 $0xFFFFCC00  }
0x5f: {  	[tilespmem:s13], [sflag:$0x2] =	stream.indirect.gather [hbm4b:s1+s11], $0x80, s23, s11, $0xb8;
	[tilespmem:$0xDD00] =	vst v63  }
0x60: {  	_ =	swait.ge [sflag:s5], $0x3400  }
0x61: {  	[sflag:s5] =	ssyncset.done $0x0  }
0x62: {  	s24 =	sadd.s32 $0xFFFFFF98, s19;
	[sflag:s5] =	ssyncadd.s32 $0xFFFFCC00  }
0x63: {  	[tilespmem:s15], [sflag:$0x3] =	stream.indirect.gather [hbm4b:s1+s11], $0x80, s24, s11, $0xb8;
	[tilespmem:$0xDD00] =	vst v63  }
.Ltmp3:
0x64: {  	_ =	swait.ge [sflag:s10], $0x3400;
	(pc) =	sbr.rel .LBB2_2-.Ltmp3, $4  }
0x65: {  	[sflag:s10] =	ssyncset.done $0x0  }
0x66: {  	[sflag:s10] =	ssyncadd.s32 $0xFFFFCC00  }
0x67: {  	[tilespmem:s17], [sflag:$0x4] =	stream.indirect.gather [hbm4b:s1+s11], $0x80, s19, s11, $0xb8;
	[tilespmem:$0xDD00] =	vst v63  }
0x68: {  	s20 =	sadd.s32 $0x2000, s20;
	s19 =	sadd.s32 $0x1A0, s19  }
.LBB2_5:
0x69: {  	_ =	sfence.sel $0x180000  }
0x6a: {  	[bflag:$0x0] =	sbarrier.arrive $0xFFFF  }
0x6b: {  	_ =	strace $0x90000047  }
0x6c: {  	s0 =	stileid.u32;
	[bflag:$0x2] =	sbarrier.arrive $0xFFFF  }
0x6d: {  	p0 =	sne.s32 s0, $0x0;
	s0 =	rddreg [dreg:$0x3]  }
0x6e: {  	s0 =	sadd.s32 @!p0 $0x100000, s0  }
0x6f: {  	[sflag:s0] =	ssyncadd.tile.s32 @!p0 $0x1;
	_ =	shalt  }
.Lfunc_end2:
_tile_overlayer_lowered:
.L_overlay_start_2:
0x70: {  	(tag) =	ssettag $0x2  }
0x71: {  	s0 =	rddreg [dreg:$0x0];
	s2 =	stileid.u32  }
0x72: {  	s1 =	rddreg [dreg:$0x1];
	p0 =	sne.s32 s2, $0x0  }
0x73: {  	s3 =	rddreg [dreg:$0x2];
	[bflag:$0x3] =	sbarrier.arrive $0xFFFF;
	s2 =	simm.s32 @!p0 $0x1C09  }
0x74: {  	[timem:s3], [sflag:s2] =	dma.local @!p0 [hbm:s0], s1  }
0x75: {  	s0 =	simm.s32 @!p0 $0x9  }
0x76: {  	_ =	swait.ge @!p0 [sflag:s0], s1  }
0x77: {  	s1 =	ssub.s32 @!p0 $0x0, s1;
	[sflag:s0] =	ssyncset.done @!p0 $0x0  }
0x78: {  	[sflag:s0] =	ssyncadd.s32 @!p0 s1  }
0x79: {  	[bflag:$0x3] =	sbarrier.arrive $0xFFFF  }
0x7a: {  	_ =	shalt  }

</sc_bundles>
